<compile_context>
chip_gen: v7x
topology: tpu7x:2x2x1
jax: 0.10.2.dev20260603
libtpu: 0.0.44.dev20260713+nightly
codegen_flags: <defaults>
</compile_context>

<pallas_src>
import functools

import jax
import jax.numpy as jnp
from jax import lax
from jax.experimental import pallas as pl
from jax.experimental.pallas import tpu as pltpu
from jax.experimental.pallas import tpu_sc as plsc

D = 128
NC, NS = 2, 16
NW = NC * NS
NB = 2


@functools.lru_cache(maxsize=None)
def _emb_call(batch: int, seq: int, vocab: int):
    assert batch % (NW * NB) == 0
    rows_per_chunk = NB * seq
    assert rows_per_chunk <= 128
    batches_per_w = batch // NW
    n_chunks = batches_per_w // NB

    NBUF = 4
    LOOK = 3
    assert n_chunks % NBUF == 0

    mesh = plsc.VectorSubcoreMesh(
        core_axis_name="c", subcore_axis_name="s",
        num_cores=NC, num_subcores=NS,
    )

    @functools.partial(
        pl.kernel,
        out_type=jax.ShapeDtypeStruct((batch, seq, D), jnp.float32),
        mesh=mesh,
        compiler_params=pltpu.CompilerParams(use_tc_tiling_on_sc=True),
        scratch_types=[
            pltpu.VMEM((n_chunks, 128), jnp.int32),
            [pltpu.VMEM((rows_per_chunk, D), jnp.float32) for _ in range(NBUF)],
            [pltpu.SemaphoreType.DMA for _ in range(NBUF)],
            [pltpu.SemaphoreType.DMA for _ in range(NBUF)],
        ],
    )
    def emb(idx_hbm, table_hbm, out_hbm, idx_v, bufs, gsem, ssem):
        wid = lax.axis_index("s") * NC + lax.axis_index("c")
        base = wid * batches_per_w

        pltpu.sync_copy(idx_hbm.at[wid], idx_v)

        def fire_gather(c, b):
            pltpu.async_copy(
                table_hbm.at[idx_v.at[c, pl.ds(0, rows_per_chunk)]],
                bufs[b], gsem[b],
            )

        def fire_stores(c, b):
            for k in range(NB):
                pltpu.async_copy(
                    bufs[b].at[pl.ds(k * seq, seq)],
                    out_hbm.at[base + c * NB + k],
                    ssem[b],
                )

        def drain_stores(c, b):
            for k in range(NB):
                pltpu.make_async_copy(
                    bufs[b].at[pl.ds(k * seq, seq)],
                    out_hbm.at[base + c * NB + k],
                    ssem[b],
                ).wait()

        for b in range(LOOK):
            fire_gather(b, b)

        @pl.loop(0, n_chunks, step=NBUF)
        def _(j):
            for b in range(NBUF):
                c = j + b
                pltpu.make_async_copy(
                    table_hbm.at[idx_v.at[c, pl.ds(0, rows_per_chunk)]],
                    bufs[b], gsem[b],
                ).wait()
                fire_stores(c, b)

                bb = (b + LOOK) % NBUF

                @pl.when(c + LOOK < n_chunks)
                def _():
                    @pl.when(c >= NBUF - LOOK)
                    def _():
                        drain_stores(c, bb)

                    fire_gather(c + LOOK, bb)

        for b in range(NBUF):
            drain_stores(0, b)

    return emb


def kernel(token_ids, emb_table):
    batch, seq = token_ids.shape
    vocab, d = emb_table.shape
    assert d == D
    ids = token_ids.astype(jnp.int32).reshape(NW, -1, NB * seq)
    ids = jnp.pad(ids, ((0, 0), (0, 0), (0, 128 - NB * seq)))
    return _emb_call(batch, seq, vocab)(ids, emb_table)

# --- scband reference (transcript-rebuilt; emitter-appended) ---
"""Pipeline reference for scband-learned-embedding-5626407158043 (READ-ONLY COPY).

The authoritative reference and input builder live on the scoring server;
editing this copy changes nothing except your own understanding.
"""

import jax, jax.numpy as jnp
import numpy as np

VOCAB = 100000
EMBED_DIM = 128
B = 4096
L = 50

def setup_inputs(seed: int = 0) -> dict:
    key = jax.random.key(seed)
    k1, k2 = jax.random.split(key)
    token_ids = jax.random.randint(k1, (B, L), 0, VOCAB, dtype=jnp.int64 if jax.config.jax_enable_x64 else jnp.int32)
    emb_table = jax.random.normal(k2, (VOCAB, EMBED_DIM), dtype=jnp.float32) * 0.02
    return {"token_ids": token_ids, "emb_table": emb_table}

def reference(token_ids, emb_table):
    # nn.Embedding lookup: table[idx]
    return jnp.take(emb_table, token_ids, axis=0)

if __name__ == "__main__":
    import jax
    _d = setup_inputs()
    print(jax.jit(kernel)(*tuple(_d.values())))

</pallas_src>

<mosaic_0001>
#map = affine_map<(d0, d1) -> (0, 0, 0)>
#map1 = affine_map<(d0, d1) -> (0, 0)>
module attributes {stable_mosaic.version = 14 : i64} {
  func.func @emb(%arg0: i32, %arg1: i32, %arg2: memref<32x64x128xi32, #tpu.memory_space<hbm>>, %arg3: memref<100000x128xf32, #tpu.memory_space<hbm>>, %arg4: memref<4096x50x128xf32, #tpu.memory_space<hbm>>, %arg5: memref<64x128xi32, #tpu.memory_space<vmem>>, %arg6: memref<100x128xf32, #tpu.memory_space<vmem>>, %arg7: memref<100x128xf32, #tpu.memory_space<vmem>>, %arg8: memref<100x128xf32, #tpu.memory_space<vmem>>, %arg9: memref<100x128xf32, #tpu.memory_space<vmem>>, %arg10: memref<!tpu.dma_semaphore, #tpu.memory_space<semaphore_mem>>, %arg11: memref<!tpu.dma_semaphore, #tpu.memory_space<semaphore_mem>>, %arg12: memref<!tpu.dma_semaphore, #tpu.memory_space<semaphore_mem>>, %arg13: memref<!tpu.dma_semaphore, #tpu.memory_space<semaphore_mem>>, %arg14: memref<!tpu.dma_semaphore, #tpu.memory_space<semaphore_mem>>, %arg15: memref<!tpu.dma_semaphore, #tpu.memory_space<semaphore_mem>>, %arg16: memref<!tpu.dma_semaphore, #tpu.memory_space<semaphore_mem>>, %arg17: memref<!tpu.dma_semaphore, #tpu.memory_space<semaphore_mem>>) attributes {dimension_semantics = [#tpu.dimension_semantics<core_parallel>, #tpu.dimension_semantics<subcore_parallel>], iteration_bounds = array<i64: 2, 16>, scalar_prefetch = 0 : i64, scratch_operands = 13 : i64, tpu.core_type = #tpu.core_type<sc_vector_subcore>, window_params = [{transform_indices = #map}, {transform_indices = #map1}, {transform_indices = #map}]} {
    %mul3A = arith.constant 2 : i32
    %mul3A_0 = arith.muli %arg1, %mul3A : i32
    %add3A = arith.addi %mul3A_0, %arg0 : i32
    %mul3A_1 = arith.constant 128 : i32
    %mul3A_2 = arith.muli %add3A, %mul3A_1 : i32
    "tpu.region"() ({
      %run_scoped3A = tpu.sem_alloc : memref<!tpu.dma_semaphore, #tpu.memory_space<semaphore_mem>>
      %dma_start3A_170 = arith.constant 0 : i32
      %dma_start3A_171 = arith.constant 0 : i32
      %dma_start3A_172 = tpu.memref_slice %arg2[%add3A, %dma_start3A_170, %dma_start3A_171] : memref<32x64x128xi32, #tpu.memory_space<hbm>> -> memref<1x64x128xi32, #tpu.memory_space<hbm>>
      %dma_start3A_173 = tpu.memref_squeeze %dma_start3A_172 : memref<1x64x128xi32, #tpu.memory_space<hbm>> -> memref<64x128xi32, #tpu.memory_space<hbm>>
      %dma_start3A_174 = arith.constant 0 : i32
      %dma_start3A_175 = arith.constant 0 : i32
      %dma_start3A_176 = tpu.memref_slice %arg2[%add3A, %dma_start3A_174, %dma_start3A_175] : memref<32x64x128xi32, #tpu.memory_space<hbm>> -> memref<1x64x128xi32, #tpu.memory_space<hbm>>
      %dma_start3A_177 = tpu.memref_squeeze %dma_start3A_176 : memref<1x64x128xi32, #tpu.memory_space<hbm>> -> memref<64x128xi32, #tpu.memory_space<hbm>>
      tpu.enqueue_dma source(%dma_start3A_177 : memref<64x128xi32, #tpu.memory_space<hbm>>) target(%arg5 : memref<64x128xi32, #tpu.memory_space<vmem>>) target_semaphore(%run_scoped3A : memref<!tpu.dma_semaphore, #tpu.memory_space<semaphore_mem>>)
      %dma_wait3A_178 = arith.constant 0 : i32
      %dma_wait3A_179 = arith.constant 0 : i32
      %dma_wait3A_180 = tpu.memref_slice %arg2[%add3A, %dma_wait3A_178, %dma_wait3A_179] : memref<32x64x128xi32, #tpu.memory_space<hbm>> -> memref<1x64x128xi32, #tpu.memory_space<hbm>>
      %dma_wait3A_181 = tpu.memref_squeeze %dma_wait3A_180 : memref<1x64x128xi32, #tpu.memory_space<hbm>> -> memref<64x128xi32, #tpu.memory_space<hbm>>
      %dma_wait3A_182 = arith.constant 0 : i32
      %dma_wait3A_183 = arith.constant 0 : i32
      %dma_wait3A_184 = tpu.memref_slice %arg2[%add3A, %dma_wait3A_182, %dma_wait3A_183] : memref<32x64x128xi32, #tpu.memory_space<hbm>> -> memref<1x64x128xi32, #tpu.memory_space<hbm>>
      %dma_wait3A_185 = tpu.memref_squeeze %dma_wait3A_184 : memref<1x64x128xi32, #tpu.memory_space<hbm>> -> memref<64x128xi32, #tpu.memory_space<hbm>>
      tpu.wait_dma2 semaphore(%run_scoped3A : memref<!tpu.dma_semaphore, #tpu.memory_space<semaphore_mem>>) src(%dma_wait3A_185 : memref<64x128xi32, #tpu.memory_space<hbm>>) dst(%arg5 : memref<64x128xi32, #tpu.memory_space<vmem>>)
      tpu.yield
    }) : () -> ()
    %dma_start3A = arith.constant 0 : i32
    %dma_start3A_3 = arith.constant 0 : i32
    %dma_start3A_4 = tpu.memref_slice %arg5[%dma_start3A, %dma_start3A_3] : memref<64x128xi32, #tpu.memory_space<vmem>> -> memref<1x100xi32, #tpu.memory_space<vmem>>
    %dma_start3A_5 = tpu.memref_squeeze %dma_start3A_4 : memref<1x100xi32, #tpu.memory_space<vmem>> -> memref<100xi32, #tpu.memory_space<vmem>>
    %dma_start3A_6 = arith.constant 0 : i32
    %dma_start3A_7 = arith.constant 0 : i32
    %dma_start3A_8 = tpu.memref_slice %arg3[%dma_start3A_6, %dma_start3A_7] : memref<100000x128xf32, #tpu.memory_space<hbm>> -> memref<100000x128xf32, #tpu.memory_space<hbm>>
    tpu.enqueue_indirect_dma source(%dma_start3A_8 : memref<100000x128xf32, #tpu.memory_space<hbm>>) target(%arg6 : memref<100x128xf32, #tpu.memory_space<vmem>>) offsets(%dma_start3A_5 : memref<100xi32, #tpu.memory_space<vmem>>) semaphore(%arg10 : memref<!tpu.dma_semaphore, #tpu.memory_space<semaphore_mem>>)
    %dma_start3A_9 = arith.constant 1 : i32
    %dma_start3A_10 = arith.constant 0 : i32
    %dma_start3A_11 = tpu.memref_slice %arg5[%dma_start3A_9, %dma_start3A_10] : memref<64x128xi32, #tpu.memory_space<vmem>> -> memref<1x100xi32, #tpu.memory_space<vmem>>
    %dma_start3A_12 = tpu.memref_squeeze %dma_start3A_11 : memref<1x100xi32, #tpu.memory_space<vmem>> -> memref<100xi32, #tpu.memory_space<vmem>>
    %dma_start3A_13 = arith.constant 0 : i32
    %dma_start3A_14 = arith.constant 0 : i32
    %dma_start3A_15 = tpu.memref_slice %arg3[%dma_start3A_13, %dma_start3A_14] : memref<100000x128xf32, #tpu.memory_space<hbm>> -> memref<100000x128xf32, #tpu.memory_space<hbm>>
    tpu.enqueue_indirect_dma source(%dma_start3A_15 : memref<100000x128xf32, #tpu.memory_space<hbm>>) target(%arg7 : memref<100x128xf32, #tpu.memory_space<vmem>>) offsets(%dma_start3A_12 : memref<100xi32, #tpu.memory_space<vmem>>) semaphore(%arg11 : memref<!tpu.dma_semaphore, #tpu.memory_space<semaphore_mem>>)
    %dma_start3A_16 = arith.constant 2 : i32
    %dma_start3A_17 = arith.constant 0 : i32
    %dma_start3A_18 = tpu.memref_slice %arg5[%dma_start3A_16, %dma_start3A_17] : memref<64x128xi32, #tpu.memory_space<vmem>> -> memref<1x100xi32, #tpu.memory_space<vmem>>
    %dma_start3A_19 = tpu.memref_squeeze %dma_start3A_18 : memref<1x100xi32, #tpu.memory_space<vmem>> -> memref<100xi32, #tpu.memory_space<vmem>>
    %dma_start3A_20 = arith.constant 0 : i32
    %dma_start3A_21 = arith.constant 0 : i32
    %dma_start3A_22 = tpu.memref_slice %arg3[%dma_start3A_20, %dma_start3A_21] : memref<100000x128xf32, #tpu.memory_space<hbm>> -> memref<100000x128xf32, #tpu.memory_space<hbm>>
    tpu.enqueue_indirect_dma source(%dma_start3A_22 : memref<100000x128xf32, #tpu.memory_space<hbm>>) target(%arg8 : memref<100x128xf32, #tpu.memory_space<vmem>>) offsets(%dma_start3A_19 : memref<100xi32, #tpu.memory_space<vmem>>) semaphore(%arg12 : memref<!tpu.dma_semaphore, #tpu.memory_space<semaphore_mem>>)
    %scan3A = arith.constant 0 : i32
    %scan3A_23 = arith.constant 16 : i32
    %scan3A_24 = arith.addi %scan3A, %scan3A_23 : i32
    %scan3A_25 = arith.constant 1 : i32
    scf.for %scan3A_170 = %scan3A to %scan3A_24 step %scan3A_25  : i32 {
      %mul3A_171 = arith.constant 4 : i32
      %mul3A_172 = arith.muli %scan3A_170, %mul3A_171 : i32
      %add3A_173 = arith.constant 0 : i32
      %add3A_174 = arith.addi %add3A_173, %mul3A_172 : i32
      %add3A_175 = arith.constant 0 : i32
      %add3A_176 = arith.addi %add3A_174, %add3A_175 : i32
      %dma_wait3A_177 = arith.constant 0 : i32
      %dma_wait3A_178 = tpu.memref_slice %arg5[%add3A_176, %dma_wait3A_177] : memref<64x128xi32, #tpu.memory_space<vmem>> -> memref<1x100xi32, #tpu.memory_space<vmem>>
      %dma_wait3A_179 = tpu.memref_squeeze %dma_wait3A_178 : memref<1x100xi32, #tpu.memory_space<vmem>> -> memref<100xi32, #tpu.memory_space<vmem>>
      %dma_wait3A_180 = arith.constant 0 : i32
      %dma_wait3A_181 = arith.constant 0 : i32
      %dma_wait3A_182 = tpu.memref_slice %arg3[%dma_wait3A_180, %dma_wait3A_181] : memref<100000x128xf32, #tpu.memory_space<hbm>> -> memref<100000x128xf32, #tpu.memory_space<hbm>>
      tpu.wait_indirect_dma semaphore(%arg10 : memref<!tpu.dma_semaphore, #tpu.memory_space<semaphore_mem>>) src(%dma_wait3A_182 : memref<100000x128xf32, #tpu.memory_space<hbm>>) dst(%arg6 : memref<100x128xf32, #tpu.memory_space<vmem>>)
      %mul3A_183 = arith.constant 2 : i32
      %mul3A_184 = arith.muli %add3A_176, %mul3A_183 : i32
      %add3A_185 = arith.addi %mul3A_2, %mul3A_184 : i32
      %add3A_186 = arith.constant 0 : i32
      %add3A_187 = arith.addi %add3A_185, %add3A_186 : i32
      %dma_start3A_188 = arith.constant 0 : i32
      %dma_start3A_189 = arith.constant 0 : i32
      %dma_start3A_190 = tpu.memref_slice %arg6[%dma_start3A_188, %dma_start3A_189] : memref<100x128xf32, #tpu.memory_space<vmem>> -> memref<50x128xf32, #tpu.memory_space<vmem>>
      %dma_start3A_191 = arith.constant 0 : i32
      %dma_start3A_192 = arith.constant 0 : i32
      %dma_start3A_193 = tpu.memref_slice %arg4[%add3A_187, %dma_start3A_191, %dma_start3A_192] : memref<4096x50x128xf32, #tpu.memory_space<hbm>> -> memref<1x50x128xf32, #tpu.memory_space<hbm>>
      %dma_start3A_194 = tpu.memref_squeeze %dma_start3A_193 : memref<1x50x128xf32, #tpu.memory_space<hbm>> -> memref<50x128xf32, #tpu.memory_space<hbm>>
      %dma_start3A_195 = arith.constant 0 : i32
      %dma_start3A_196 = arith.constant 0 : i32
      %dma_start3A_197 = tpu.memref_slice %arg4[%add3A_187, %dma_start3A_195, %dma_start3A_196] : memref<4096x50x128xf32, #tpu.memory_space<hbm>> -> memref<1x50x128xf32, #tpu.memory_space<hbm>>
      %dma_start3A_198 = tpu.memref_squeeze %dma_start3A_197 : memref<1x50x128xf32, #tpu.memory_space<hbm>> -> memref<50x128xf32, #tpu.memory_space<hbm>>
      %dma_start3A_199 = arith.constant 0 : i32
      %dma_start3A_200 = arith.constant 0 : i32
      %dma_start3A_201 = tpu.memref_slice %arg6[%dma_start3A_199, %dma_start3A_200] : memref<100x128xf32, #tpu.memory_space<vmem>> -> memref<50x128xf32, #tpu.memory_space<vmem>>
      tpu.enqueue_dma source(%dma_start3A_201 : memref<50x128xf32, #tpu.memory_space<vmem>>) target(%dma_start3A_198 : memref<50x128xf32, #tpu.memory_space<hbm>>) target_semaphore(%arg14 : memref<!tpu.dma_semaphore, #tpu.memory_space<semaphore_mem>>)
      %mul3A_202 = arith.constant 2 : i32
      %mul3A_203 = arith.muli %add3A_176, %mul3A_202 : i32
      %add3A_204 = arith.addi %mul3A_2, %mul3A_203 : i32
      %add3A_205 = arith.constant 1 : i32
      %add3A_206 = arith.addi %add3A_204, %add3A_205 : i32
      %dma_start3A_207 = arith.constant 50 : i32
      %dma_start3A_208 = arith.constant 0 : i32
      %dma_start3A_209 = tpu.memref_slice %arg6[%dma_start3A_207, %dma_start3A_208] : memref<100x128xf32, #tpu.memory_space<vmem>> -> memref<50x128xf32, #tpu.memory_space<vmem>>
      %dma_start3A_210 = arith.constant 0 : i32
      %dma_start3A_211 = arith.constant 0 : i32
      %dma_start3A_212 = tpu.memref_slice %arg4[%add3A_206, %dma_start3A_210, %dma_start3A_211] : memref<4096x50x128xf32, #tpu.memory_space<hbm>> -> memref<1x50x128xf32, #tpu.memory_space<hbm>>
      %dma_start3A_213 = tpu.memref_squeeze %dma_start3A_212 : memref<1x50x128xf32, #tpu.memory_space<hbm>> -> memref<50x128xf32, #tpu.memory_space<hbm>>
      %dma_start3A_214 = arith.constant 0 : i32
      %dma_start3A_215 = arith.constant 0 : i32
      %dma_start3A_216 = tpu.memref_slice %arg4[%add3A_206, %dma_start3A_214, %dma_start3A_215] : memref<4096x50x128xf32, #tpu.memory_space<hbm>> -> memref<1x50x128xf32, #tpu.memory_space<hbm>>
      %dma_start3A_217 = tpu.memref_squeeze %dma_start3A_216 : memref<1x50x128xf32, #tpu.memory_space<hbm>> -> memref<50x128xf32, #tpu.memory_space<hbm>>
      %dma_start3A_218 = arith.constant 50 : i32
      %dma_start3A_219 = arith.constant 0 : i32
      %dma_start3A_220 = tpu.memref_slice %arg6[%dma_start3A_218, %dma_start3A_219] : memref<100x128xf32, #tpu.memory_space<vmem>> -> memref<50x128xf32, #tpu.memory_space<vmem>>
      tpu.enqueue_dma source(%dma_start3A_220 : memref<50x128xf32, #tpu.memory_space<vmem>>) target(%dma_start3A_217 : memref<50x128xf32, #tpu.memory_space<hbm>>) target_semaphore(%arg14 : memref<!tpu.dma_semaphore, #tpu.memory_space<semaphore_mem>>)
      %add3A_221 = arith.constant 3 : i32
      %add3A_222 = arith.addi %add3A_176, %add3A_221 : i32
      %lt3A = arith.constant 64 : i32
      %lt3A_223 = arith.cmpi slt, %add3A_222, %lt3A : i32
      %convert_element_type3A = arith.extui %lt3A_223 : i1 to i32
      %cond3A = arith.constant 0 : i32
      %cond3A_224 = arith.cmpi ne, %convert_element_type3A, %cond3A : i32
      scf.if %cond3A_224 {
        %ge3A = arith.constant 1 : i32
        %ge3A_384 = arith.cmpi sge, %add3A_176, %ge3A : i32
        %convert_element_type3A_385 = arith.extui %ge3A_384 : i1 to i32
        %cond3A_386 = arith.constant 0 : i32
        %cond3A_387 = arith.cmpi ne, %convert_element_type3A_385, %cond3A_386 : i32
        scf.if %cond3A_387 {
          %mul3A_396 = arith.constant 2 : i32
          %mul3A_397 = arith.muli %add3A_176, %mul3A_396 : i32
          %add3A_398 = arith.addi %mul3A_2, %mul3A_397 : i32
          %add3A_399 = arith.constant 0 : i32
          %add3A_400 = arith.addi %add3A_398, %add3A_399 : i32
          %dma_wait3A_401 = arith.constant 0 : i32
          %dma_wait3A_402 = arith.constant 0 : i32
          %dma_wait3A_403 = tpu.memref_slice %arg9[%dma_wait3A_401, %dma_wait3A_402] : memref<100x128xf32, #tpu.memory_space<vmem>> -> memref<50x128xf32, #tpu.memory_space<vmem>>
          %dma_wait3A_404 = arith.constant 0 : i32
          %dma_wait3A_405 = arith.constant 0 : i32
          %dma_wait3A_406 = tpu.memref_slice %arg4[%add3A_400, %dma_wait3A_404, %dma_wait3A_405] : memref<4096x50x128xf32, #tpu.memory_space<hbm>> -> memref<1x50x128xf32, #tpu.memory_space<hbm>>
          %dma_wait3A_407 = tpu.memref_squeeze %dma_wait3A_406 : memref<1x50x128xf32, #tpu.memory_space<hbm>> -> memref<50x128xf32, #tpu.memory_space<hbm>>
          %dma_wait3A_408 = arith.constant 0 : i32
          %dma_wait3A_409 = arith.constant 0 : i32
          %dma_wait3A_410 = tpu.memref_slice %arg4[%add3A_400, %dma_wait3A_408, %dma_wait3A_409] : memref<4096x50x128xf32, #tpu.memory_space<hbm>> -> memref<1x50x128xf32, #tpu.memory_space<hbm>>
          %dma_wait3A_411 = tpu.memref_squeeze %dma_wait3A_410 : memref<1x50x128xf32, #tpu.memory_space<hbm>> -> memref<50x128xf32, #tpu.memory_space<hbm>>
          %dma_wait3A_412 = arith.constant 0 : i32
          %dma_wait3A_413 = arith.constant 0 : i32
          %dma_wait3A_414 = tpu.memref_slice %arg9[%dma_wait3A_412, %dma_wait3A_413] : memref<100x128xf32, #tpu.memory_space<vmem>> -> memref<50x128xf32, #tpu.memory_space<vmem>>
          tpu.wait_dma2 semaphore(%arg17 : memref<!tpu.dma_semaphore, #tpu.memory_space<semaphore_mem>>) src(%dma_wait3A_414 : memref<50x128xf32, #tpu.memory_space<vmem>>) dst(%dma_wait3A_411 : memref<50x128xf32, #tpu.memory_space<hbm>>)
          %mul3A_415 = arith.constant 2 : i32
          %mul3A_416 = arith.muli %add3A_176, %mul3A_415 : i32
          %add3A_417 = arith.addi %mul3A_2, %mul3A_416 : i32
          %add3A_418 = arith.constant 1 : i32
          %add3A_419 = arith.addi %add3A_417, %add3A_418 : i32
          %dma_wait3A_420 = arith.constant 50 : i32
          %dma_wait3A_421 = arith.constant 0 : i32
          %dma_wait3A_422 = tpu.memref_slice %arg9[%dma_wait3A_420, %dma_wait3A_421] : memref<100x128xf32, #tpu.memory_space<vmem>> -> memref<50x128xf32, #tpu.memory_space<vmem>>
          %dma_wait3A_423 = arith.constant 0 : i32
          %dma_wait3A_424 = arith.constant 0 : i32
          %dma_wait3A_425 = tpu.memref_slice %arg4[%add3A_419, %dma_wait3A_423, %dma_wait3A_424] : memref<4096x50x128xf32, #tpu.memory_space<hbm>> -> memref<1x50x128xf32, #tpu.memory_space<hbm>>
          %dma_wait3A_426 = tpu.memref_squeeze %dma_wait3A_425 : memref<1x50x128xf32, #tpu.memory_space<hbm>> -> memref<50x128xf32, #tpu.memory_space<hbm>>
          %dma_wait3A_427 = arith.constant 0 : i32
          %dma_wait3A_428 = arith.constant 0 : i32
          %dma_wait3A_429 = tpu.memref_slice %arg4[%add3A_419, %dma_wait3A_427, %dma_wait3A_428] : memref<4096x50x128xf32, #tpu.memory_space<hbm>> -> memref<1x50x128xf32, #tpu.memory_space<hbm>>
          %dma_wait3A_430 = tpu.memref_squeeze %dma_wait3A_429 : memref<1x50x128xf32, #tpu.memory_space<hbm>> -> memref<50x128xf32, #tpu.memory_space<hbm>>
          %dma_wait3A_431 = arith.constant 50 : i32
          %dma_wait3A_432 = arith.constant 0 : i32
          %dma_wait3A_433 = tpu.memref_slice %arg9[%dma_wait3A_431, %dma_wait3A_432] : memref<100x128xf32, #tpu.memory_space<vmem>> -> memref<50x128xf32, #tpu.memory_space<vmem>>
          tpu.wait_dma2 semaphore(%arg17 : memref<!tpu.dma_semaphore, #tpu.memory_space<semaphore_mem>>) src(%dma_wait3A_433 : memref<50x128xf32, #tpu.memory_space<vmem>>) dst(%dma_wait3A_430 : memref<50x128xf32, #tpu.memory_space<hbm>>)
        } else {
        }
        %add3A_388 = arith.constant 3 : i32
        %add3A_389 = arith.addi %add3A_176, %add3A_388 : i32
        %dma_start3A_390 = arith.constant 0 : i32
        %dma_start3A_391 = tpu.memref_slice %arg5[%add3A_389, %dma_start3A_390] : memref<64x128xi32, #tpu.memory_space<vmem>> -> memref<1x100xi32, #tpu.memory_space<vmem>>
        %dma_start3A_392 = tpu.memref_squeeze %dma_start3A_391 : memref<1x100xi32, #tpu.memory_space<vmem>> -> memref<100xi32, #tpu.memory_space<vmem>>
        %dma_start3A_393 = arith.constant 0 : i32
        %dma_start3A_394 = arith.constant 0 : i32
        %dma_start3A_395 = tpu.memref_slice %arg3[%dma_start3A_393, %dma_start3A_394] : memref<100000x128xf32, #tpu.memory_space<hbm>> -> memref<100000x128xf32, #tpu.memory_space<hbm>>
        tpu.enqueue_indirect_dma source(%dma_start3A_395 : memref<100000x128xf32, #tpu.memory_space<hbm>>) target(%arg9 : memref<100x128xf32, #tpu.memory_space<vmem>>) offsets(%dma_start3A_392 : memref<100xi32, #tpu.memory_space<vmem>>) semaphore(%arg13 : memref<!tpu.dma_semaphore, #tpu.memory_space<semaphore_mem>>)
      } else {
      }
      %add3A_225 = arith.constant 1 : i32
      %add3A_226 = arith.addi %add3A_174, %add3A_225 : i32
      %dma_wait3A_227 = arith.constant 0 : i32
      %dma_wait3A_228 = tpu.memref_slice %arg5[%add3A_226, %dma_wait3A_227] : memref<64x128xi32, #tpu.memory_space<vmem>> -> memref<1x100xi32, #tpu.memory_space<vmem>>
      %dma_wait3A_229 = tpu.memref_squeeze %dma_wait3A_228 : memref<1x100xi32, #tpu.memory_space<vmem>> -> memref<100xi32, #tpu.memory_space<vmem>>
      %dma_wait3A_230 = arith.constant 0 : i32
      %dma_wait3A_231 = arith.constant 0 : i32
      %dma_wait3A_232 = tpu.memref_slice %arg3[%dma_wait3A_230, %dma_wait3A_231] : memref<100000x128xf32, #tpu.memory_space<hbm>> -> memref<100000x128xf32, #tpu.memory_space<hbm>>
      tpu.wait_indirect_dma semaphore(%arg11 : memref<!tpu.dma_semaphore, #tpu.memory_space<semaphore_mem>>) src(%dma_wait3A_232 : memref<100000x128xf32, #tpu.memory_space<hbm>>) dst(%arg7 : memref<100x128xf32, #tpu.memory_space<vmem>>)
      %mul3A_233 = arith.constant 2 : i32
      %mul3A_234 = arith.muli %add3A_226, %mul3A_233 : i32
      %add3A_235 = arith.addi %mul3A_2, %mul3A_234 : i32
      %add3A_236 = arith.constant 0 : i32
      %add3A_237 = arith.addi %add3A_235, %add3A_236 : i32
      %dma_start3A_238 = arith.constant 0 : i32
      %dma_start3A_239 = arith.constant 0 : i32
      %dma_start3A_240 = tpu.memref_slice %arg7[%dma_start3A_238, %dma_start3A_239] : memref<100x128xf32, #tpu.memory_space<vmem>> -> memref<50x128xf32, #tpu.memory_space<vmem>>
      %dma_start3A_241 = arith.constant 0 : i32
      %dma_start3A_242 = arith.constant 0 : i32
      %dma_start3A_243 = tpu.memref_slice %arg4[%add3A_237, %dma_start3A_241, %dma_start3A_242] : memref<4096x50x128xf32, #tpu.memory_space<hbm>> -> memref<1x50x128xf32, #tpu.memory_space<hbm>>
      %dma_start3A_244 = tpu.memref_squeeze %dma_start3A_243 : memref<1x50x128xf32, #tpu.memory_space<hbm>> -> memref<50x128xf32, #tpu.memory_space<hbm>>
      %dma_start3A_245 = arith.constant 0 : i32
      %dma_start3A_246 = arith.constant 0 : i32
      %dma_start3A_247 = tpu.memref_slice %arg4[%add3A_237, %dma_start3A_245, %dma_start3A_246] : memref<4096x50x128xf32, #tpu.memory_space<hbm>> -> memref<1x50x128xf32, #tpu.memory_space<hbm>>
      %dma_start3A_248 = tpu.memref_squeeze %dma_start3A_247 : memref<1x50x128xf32, #tpu.memory_space<hbm>> -> memref<50x128xf32, #tpu.memory_space<hbm>>
      %dma_start3A_249 = arith.constant 0 : i32
      %dma_start3A_250 = arith.constant 0 : i32
      %dma_start3A_251 = tpu.memref_slice %arg7[%dma_start3A_249, %dma_start3A_250] : memref<100x128xf32, #tpu.memory_space<vmem>> -> memref<50x128xf32, #tpu.memory_space<vmem>>
      tpu.enqueue_dma source(%dma_start3A_251 : memref<50x128xf32, #tpu.memory_space<vmem>>) target(%dma_start3A_248 : memref<50x128xf32, #tpu.memory_space<hbm>>) target_semaphore(%arg15 : memref<!tpu.dma_semaphore, #tpu.memory_space<semaphore_mem>>)
      %mul3A_252 = arith.constant 2 : i32
      %mul3A_253 = arith.muli %add3A_226, %mul3A_252 : i32
      %add3A_254 = arith.addi %mul3A_2, %mul3A_253 : i32
      %add3A_255 = arith.constant 1 : i32
      %add3A_256 = arith.addi %add3A_254, %add3A_255 : i32
      %dma_start3A_257 = arith.constant 50 : i32
      %dma_start3A_258 = arith.constant 0 : i32
      %dma_start3A_259 = tpu.memref_slice %arg7[%dma_start3A_257, %dma_start3A_258] : memref<100x128xf32, #tpu.memory_space<vmem>> -> memref<50x128xf32, #tpu.memory_space<vmem>>
      %dma_start3A_260 = arith.constant 0 : i32
      %dma_start3A_261 = arith.constant 0 : i32
      %dma_start3A_262 = tpu.memref_slice %arg4[%add3A_256, %dma_start3A_260, %dma_start3A_261] : memref<4096x50x128xf32, #tpu.memory_space<hbm>> -> memref<1x50x128xf32, #tpu.memory_space<hbm>>
      %dma_start3A_263 = tpu.memref_squeeze %dma_start3A_262 : memref<1x50x128xf32, #tpu.memory_space<hbm>> -> memref<50x128xf32, #tpu.memory_space<hbm>>
      %dma_start3A_264 = arith.constant 0 : i32
      %dma_start3A_265 = arith.constant 0 : i32
      %dma_start3A_266 = tpu.memref_slice %arg4[%add3A_256, %dma_start3A_264, %dma_start3A_265] : memref<4096x50x128xf32, #tpu.memory_space<hbm>> -> memref<1x50x128xf32, #tpu.memory_space<hbm>>
      %dma_start3A_267 = tpu.memref_squeeze %dma_start3A_266 : memref<1x50x128xf32, #tpu.memory_space<hbm>> -> memref<50x128xf32, #tpu.memory_space<hbm>>
      %dma_start3A_268 = arith.constant 50 : i32
      %dma_start3A_269 = arith.constant 0 : i32
      %dma_start3A_270 = tpu.memref_slice %arg7[%dma_start3A_268, %dma_start3A_269] : memref<100x128xf32, #tpu.memory_space<vmem>> -> memref<50x128xf32, #tpu.memory_space<vmem>>
      tpu.enqueue_dma source(%dma_start3A_270 : memref<50x128xf32, #tpu.memory_space<vmem>>) target(%dma_start3A_267 : memref<50x128xf32, #tpu.memory_space<hbm>>) target_semaphore(%arg15 : memref<!tpu.dma_semaphore, #tpu.memory_space<semaphore_mem>>)
      %add3A_271 = arith.constant 3 : i32
      %add3A_272 = arith.addi %add3A_226, %add3A_271 : i32
      %lt3A_273 = arith.constant 64 : i32
      %lt3A_274 = arith.cmpi slt, %add3A_272, %lt3A_273 : i32
      %convert_element_type3A_275 = arith.extui %lt3A_274 : i1 to i32
      %cond3A_276 = arith.constant 0 : i32
      %cond3A_277 = arith.cmpi ne, %convert_element_type3A_275, %cond3A_276 : i32
      scf.if %cond3A_277 {
        %ge3A = arith.constant 1 : i32
        %ge3A_384 = arith.cmpi sge, %add3A_226, %ge3A : i32
        %convert_element_type3A_385 = arith.extui %ge3A_384 : i1 to i32
        %cond3A_386 = arith.constant 0 : i32
        %cond3A_387 = arith.cmpi ne, %convert_element_type3A_385, %cond3A_386 : i32
        scf.if %cond3A_387 {
          %mul3A_396 = arith.constant 2 : i32
          %mul3A_397 = arith.muli %add3A_226, %mul3A_396 : i32
          %add3A_398 = arith.addi %mul3A_2, %mul3A_397 : i32
          %add3A_399 = arith.constant 0 : i32
          %add3A_400 = arith.addi %add3A_398, %add3A_399 : i32
          %dma_wait3A_401 = arith.constant 0 : i32
          %dma_wait3A_402 = arith.constant 0 : i32
          %dma_wait3A_403 = tpu.memref_slice %arg6[%dma_wait3A_401, %dma_wait3A_402] : memref<100x128xf32, #tpu.memory_space<vmem>> -> memref<50x128xf32, #tpu.memory_space<vmem>>
          %dma_wait3A_404 = arith.constant 0 : i32
          %dma_wait3A_405 = arith.constant 0 : i32
          %dma_wait3A_406 = tpu.memref_slice %arg4[%add3A_400, %dma_wait3A_404, %dma_wait3A_405] : memref<4096x50x128xf32, #tpu.memory_space<hbm>> -> memref<1x50x128xf32, #tpu.memory_space<hbm>>
          %dma_wait3A_407 = tpu.memref_squeeze %dma_wait3A_406 : memref<1x50x128xf32, #tpu.memory_space<hbm>> -> memref<50x128xf32, #tpu.memory_space<hbm>>
          %dma_wait3A_408 = arith.constant 0 : i32
          %dma_wait3A_409 = arith.constant 0 : i32
          %dma_wait3A_410 = tpu.memref_slice %arg4[%add3A_400, %dma_wait3A_408, %dma_wait3A_409] : memref<4096x50x128xf32, #tpu.memory_space<hbm>> -> memref<1x50x128xf32, #tpu.memory_space<hbm>>
          %dma_wait3A_411 = tpu.memref_squeeze %dma_wait3A_410 : memref<1x50x128xf32, #tpu.memory_space<hbm>> -> memref<50x128xf32, #tpu.memory_space<hbm>>
          %dma_wait3A_412 = arith.constant 0 : i32
          %dma_wait3A_413 = arith.constant 0 : i32
          %dma_wait3A_414 = tpu.memref_slice %arg6[%dma_wait3A_412, %dma_wait3A_413] : memref<100x128xf32, #tpu.memory_space<vmem>> -> memref<50x128xf32, #tpu.memory_space<vmem>>
          tpu.wait_dma2 semaphore(%arg14 : memref<!tpu.dma_semaphore, #tpu.memory_space<semaphore_mem>>) src(%dma_wait3A_414 : memref<50x128xf32, #tpu.memory_space<vmem>>) dst(%dma_wait3A_411 : memref<50x128xf32, #tpu.memory_space<hbm>>)
          %mul3A_415 = arith.constant 2 : i32
          %mul3A_416 = arith.muli %add3A_226, %mul3A_415 : i32
          %add3A_417 = arith.addi %mul3A_2, %mul3A_416 : i32
          %add3A_418 = arith.constant 1 : i32
          %add3A_419 = arith.addi %add3A_417, %add3A_418 : i32
          %dma_wait3A_420 = arith.constant 50 : i32
          %dma_wait3A_421 = arith.constant 0 : i32
          %dma_wait3A_422 = tpu.memref_slice %arg6[%dma_wait3A_420, %dma_wait3A_421] : memref<100x128xf32, #tpu.memory_space<vmem>> -> memref<50x128xf32, #tpu.memory_space<vmem>>
          %dma_wait3A_423 = arith.constant 0 : i32
          %dma_wait3A_424 = arith.constant 0 : i32
          %dma_wait3A_425 = tpu.memref_slice %arg4[%add3A_419, %dma_wait3A_423, %dma_wait3A_424] : memref<4096x50x128xf32, #tpu.memory_space<hbm>> -> memref<1x50x128xf32, #tpu.memory_space<hbm>>
          %dma_wait3A_426 = tpu.memref_squeeze %dma_wait3A_425 : memref<1x50x128xf32, #tpu.memory_space<hbm>> -> memref<50x128xf32, #tpu.memory_space<hbm>>
          %dma_wait3A_427 = arith.constant 0 : i32
          %dma_wait3A_428 = arith.constant 0 : i32
          %dma_wait3A_429 = tpu.memref_slice %arg4[%add3A_419, %dma_wait3A_427, %dma_wait3A_428] : memref<4096x50x128xf32, #tpu.memory_space<hbm>> -> memref<1x50x128xf32, #tpu.memory_space<hbm>>
          %dma_wait3A_430 = tpu.memref_squeeze %dma_wait3A_429 : memref<1x50x128xf32, #tpu.memory_space<hbm>> -> memref<50x128xf32, #tpu.memory_space<hbm>>
          %dma_wait3A_431 = arith.constant 50 : i32
          %dma_wait3A_432 = arith.constant 0 : i32
          %dma_wait3A_433 = tpu.memref_slice %arg6[%dma_wait3A_431, %dma_wait3A_432] : memref<100x128xf32, #tpu.memory_space<vmem>> -> memref<50x128xf32, #tpu.memory_space<vmem>>
          tpu.wait_dma2 semaphore(%arg14 : memref<!tpu.dma_semaphore, #tpu.memory_space<semaphore_mem>>) src(%dma_wait3A_433 : memref<50x128xf32, #tpu.memory_space<vmem>>) dst(%dma_wait3A_430 : memref<50x128xf32, #tpu.memory_space<hbm>>)
        } else {
        }
        %add3A_388 = arith.constant 3 : i32
        %add3A_389 = arith.addi %add3A_226, %add3A_388 : i32
        %dma_start3A_390 = arith.constant 0 : i32
        %dma_start3A_391 = tpu.memref_slice %arg5[%add3A_389, %dma_start3A_390] : memref<64x128xi32, #tpu.memory_space<vmem>> -> memref<1x100xi32, #tpu.memory_space<vmem>>
        %dma_start3A_392 = tpu.memref_squeeze %dma_start3A_391 : memref<1x100xi32, #tpu.memory_space<vmem>> -> memref<100xi32, #tpu.memory_space<vmem>>
        %dma_start3A_393 = arith.constant 0 : i32
        %dma_start3A_394 = arith.constant 0 : i32
        %dma_start3A_395 = tpu.memref_slice %arg3[%dma_start3A_393, %dma_start3A_394] : memref<100000x128xf32, #tpu.memory_space<hbm>> -> memref<100000x128xf32, #tpu.memory_space<hbm>>
        tpu.enqueue_indirect_dma source(%dma_start3A_395 : memref<100000x128xf32, #tpu.memory_space<hbm>>) target(%arg6 : memref<100x128xf32, #tpu.memory_space<vmem>>) offsets(%dma_start3A_392 : memref<100xi32, #tpu.memory_space<vmem>>) semaphore(%arg10 : memref<!tpu.dma_semaphore, #tpu.memory_space<semaphore_mem>>)
      } else {
      }
      %add3A_278 = arith.constant 2 : i32
      %add3A_279 = arith.addi %add3A_174, %add3A_278 : i32
      %dma_wait3A_280 = arith.constant 0 : i32
      %dma_wait3A_281 = tpu.memref_slice %arg5[%add3A_279, %dma_wait3A_280] : memref<64x128xi32, #tpu.memory_space<vmem>> -> memref<1x100xi32, #tpu.memory_space<vmem>>
      %dma_wait3A_282 = tpu.memref_squeeze %dma_wait3A_281 : memref<1x100xi32, #tpu.memory_space<vmem>> -> memref<100xi32, #tpu.memory_space<vmem>>
      %dma_wait3A_283 = arith.constant 0 : i32
      %dma_wait3A_284 = arith.constant 0 : i32
      %dma_wait3A_285 = tpu.memref_slice %arg3[%dma_wait3A_283, %dma_wait3A_284] : memref<100000x128xf32, #tpu.memory_space<hbm>> -> memref<100000x128xf32, #tpu.memory_space<hbm>>
      tpu.wait_indirect_dma semaphore(%arg12 : memref<!tpu.dma_semaphore, #tpu.memory_space<semaphore_mem>>) src(%dma_wait3A_285 : memref<100000x128xf32, #tpu.memory_space<hbm>>) dst(%arg8 : memref<100x128xf32, #tpu.memory_space<vmem>>)
      %mul3A_286 = arith.constant 2 : i32
      %mul3A_287 = arith.muli %add3A_279, %mul3A_286 : i32
      %add3A_288 = arith.addi %mul3A_2, %mul3A_287 : i32
      %add3A_289 = arith.constant 0 : i32
      %add3A_290 = arith.addi %add3A_288, %add3A_289 : i32
      %dma_start3A_291 = arith.constant 0 : i32
      %dma_start3A_292 = arith.constant 0 : i32
      %dma_start3A_293 = tpu.memref_slice %arg8[%dma_start3A_291, %dma_start3A_292] : memref<100x128xf32, #tpu.memory_space<vmem>> -> memref<50x128xf32, #tpu.memory_space<vmem>>
      %dma_start3A_294 = arith.constant 0 : i32
      %dma_start3A_295 = arith.constant 0 : i32
      %dma_start3A_296 = tpu.memref_slice %arg4[%add3A_290, %dma_start3A_294, %dma_start3A_295] : memref<4096x50x128xf32, #tpu.memory_space<hbm>> -> memref<1x50x128xf32, #tpu.memory_space<hbm>>
      %dma_start3A_297 = tpu.memref_squeeze %dma_start3A_296 : memref<1x50x128xf32, #tpu.memory_space<hbm>> -> memref<50x128xf32, #tpu.memory_space<hbm>>
      %dma_start3A_298 = arith.constant 0 : i32
      %dma_start3A_299 = arith.constant 0 : i32
      %dma_start3A_300 = tpu.memref_slice %arg4[%add3A_290, %dma_start3A_298, %dma_start3A_299] : memref<4096x50x128xf32, #tpu.memory_space<hbm>> -> memref<1x50x128xf32, #tpu.memory_space<hbm>>
      %dma_start3A_301 = tpu.memref_squeeze %dma_start3A_300 : memref<1x50x128xf32, #tpu.memory_space<hbm>> -> memref<50x128xf32, #tpu.memory_space<hbm>>
      %dma_start3A_302 = arith.constant 0 : i32
      %dma_start3A_303 = arith.constant 0 : i32
      %dma_start3A_304 = tpu.memref_slice %arg8[%dma_start3A_302, %dma_start3A_303] : memref<100x128xf32, #tpu.memory_space<vmem>> -> memref<50x128xf32, #tpu.memory_space<vmem>>
      tpu.enqueue_dma source(%dma_start3A_304 : memref<50x128xf32, #tpu.memory_space<vmem>>) target(%dma_start3A_301 : memref<50x128xf32, #tpu.memory_space<hbm>>) target_semaphore(%arg16 : memref<!tpu.dma_semaphore, #tpu.memory_space<semaphore_mem>>)
      %mul3A_305 = arith.constant 2 : i32
      %mul3A_306 = arith.muli %add3A_279, %mul3A_305 : i32
      %add3A_307 = arith.addi %mul3A_2, %mul3A_306 : i32
      %add3A_308 = arith.constant 1 : i32
      %add3A_309 = arith.addi %add3A_307, %add3A_308 : i32
      %dma_start3A_310 = arith.constant 50 : i32
      %dma_start3A_311 = arith.constant 0 : i32
      %dma_start3A_312 = tpu.memref_slice %arg8[%dma_start3A_310, %dma_start3A_311] : memref<100x128xf32, #tpu.memory_space<vmem>> -> memref<50x128xf32, #tpu.memory_space<vmem>>
      %dma_start3A_313 = arith.constant 0 : i32
      %dma_start3A_314 = arith.constant 0 : i32
      %dma_start3A_315 = tpu.memref_slice %arg4[%add3A_309, %dma_start3A_313, %dma_start3A_314] : memref<4096x50x128xf32, #tpu.memory_space<hbm>> -> memref<1x50x128xf32, #tpu.memory_space<hbm>>
      %dma_start3A_316 = tpu.memref_squeeze %dma_start3A_315 : memref<1x50x128xf32, #tpu.memory_space<hbm>> -> memref<50x128xf32, #tpu.memory_space<hbm>>
      %dma_start3A_317 = arith.constant 0 : i32
      %dma_start3A_318 = arith.constant 0 : i32
      %dma_start3A_319 = tpu.memref_slice %arg4[%add3A_309, %dma_start3A_317, %dma_start3A_318] : memref<4096x50x128xf32, #tpu.memory_space<hbm>> -> memref<1x50x128xf32, #tpu.memory_space<hbm>>
      %dma_start3A_320 = tpu.memref_squeeze %dma_start3A_319 : memref<1x50x128xf32, #tpu.memory_space<hbm>> -> memref<50x128xf32, #tpu.memory_space<hbm>>
      %dma_start3A_321 = arith.constant 50 : i32
      %dma_start3A_322 = arith.constant 0 : i32
      %dma_start3A_323 = tpu.memref_slice %arg8[%dma_start3A_321, %dma_start3A_322] : memref<100x128xf32, #tpu.memory_space<vmem>> -> memref<50x128xf32, #tpu.memory_space<vmem>>
      tpu.enqueue_dma source(%dma_start3A_323 : memref<50x128xf32, #tpu.memory_space<vmem>>) target(%dma_start3A_320 : memref<50x128xf32, #tpu.memory_space<hbm>>) target_semaphore(%arg16 : memref<!tpu.dma_semaphore, #tpu.memory_space<semaphore_mem>>)
      %add3A_324 = arith.constant 3 : i32
      %add3A_325 = arith.addi %add3A_279, %add3A_324 : i32
      %lt3A_326 = arith.constant 64 : i32
      %lt3A_327 = arith.cmpi slt, %add3A_325, %lt3A_326 : i32
      %convert_element_type3A_328 = arith.extui %lt3A_327 : i1 to i32
      %cond3A_329 = arith.constant 0 : i32
      %cond3A_330 = arith.cmpi ne, %convert_element_type3A_328, %cond3A_329 : i32
      scf.if %cond3A_330 {
        %ge3A = arith.constant 1 : i32
        %ge3A_384 = arith.cmpi sge, %add3A_279, %ge3A : i32
        %convert_element_type3A_385 = arith.extui %ge3A_384 : i1 to i32
        %cond3A_386 = arith.constant 0 : i32
        %cond3A_387 = arith.cmpi ne, %convert_element_type3A_385, %cond3A_386 : i32
        scf.if %cond3A_387 {
          %mul3A_396 = arith.constant 2 : i32
          %mul3A_397 = arith.muli %add3A_279, %mul3A_396 : i32
          %add3A_398 = arith.addi %mul3A_2, %mul3A_397 : i32
          %add3A_399 = arith.constant 0 : i32
          %add3A_400 = arith.addi %add3A_398, %add3A_399 : i32
          %dma_wait3A_401 = arith.constant 0 : i32
          %dma_wait3A_402 = arith.constant 0 : i32
          %dma_wait3A_403 = tpu.memref_slice %arg7[%dma_wait3A_401, %dma_wait3A_402] : memref<100x128xf32, #tpu.memory_space<vmem>> -> memref<50x128xf32, #tpu.memory_space<vmem>>
          %dma_wait3A_404 = arith.constant 0 : i32
          %dma_wait3A_405 = arith.constant 0 : i32
          %dma_wait3A_406 = tpu.memref_slice %arg4[%add3A_400, %dma_wait3A_404, %dma_wait3A_405] : memref<4096x50x128xf32, #tpu.memory_space<hbm>> -> memref<1x50x128xf32, #tpu.memory_space<hbm>>
          %dma_wait3A_407 = tpu.memref_squeeze %dma_wait3A_406 : memref<1x50x128xf32, #tpu.memory_space<hbm>> -> memref<50x128xf32, #tpu.memory_space<hbm>>
          %dma_wait3A_408 = arith.constant 0 : i32
          %dma_wait3A_409 = arith.constant 0 : i32
          %dma_wait3A_410 = tpu.memref_slice %arg4[%add3A_400, %dma_wait3A_408, %dma_wait3A_409] : memref<4096x50x128xf32, #tpu.memory_space<hbm>> -> memref<1x50x128xf32, #tpu.memory_space<hbm>>
          %dma_wait3A_411 = tpu.memref_squeeze %dma_wait3A_410 : memref<1x50x128xf32, #tpu.memory_space<hbm>> -> memref<50x128xf32, #tpu.memory_space<hbm>>
          %dma_wait3A_412 = arith.constant 0 : i32
          %dma_wait3A_413 = arith.constant 0 : i32
          %dma_wait3A_414 = tpu.memref_slice %arg7[%dma_wait3A_412, %dma_wait3A_413] : memref<100x128xf32, #tpu.memory_space<vmem>> -> memref<50x128xf32, #tpu.memory_space<vmem>>
          tpu.wait_dma2 semaphore(%arg15 : memref<!tpu.dma_semaphore, #tpu.memory_space<semaphore_mem>>) src(%dma_wait3A_414 : memref<50x128xf32, #tpu.memory_space<vmem>>) dst(%dma_wait3A_411 : memref<50x128xf32, #tpu.memory_space<hbm>>)
          %mul3A_415 = arith.constant 2 : i32
          %mul3A_416 = arith.muli %add3A_279, %mul3A_415 : i32
          %add3A_417 = arith.addi %mul3A_2, %mul3A_416 : i32
          %add3A_418 = arith.constant 1 : i32
          %add3A_419 = arith.addi %add3A_417, %add3A_418 : i32
          %dma_wait3A_420 = arith.constant 50 : i32
          %dma_wait3A_421 = arith.constant 0 : i32
          %dma_wait3A_422 = tpu.memref_slice %arg7[%dma_wait3A_420, %dma_wait3A_421] : memref<100x128xf32, #tpu.memory_space<vmem>> -> memref<50x128xf32, #tpu.memory_space<vmem>>
          %dma_wait3A_423 = arith.constant 0 : i32
          %dma_wait3A_424 = arith.constant 0 : i32
          %dma_wait3A_425 = tpu.memref_slice %arg4[%add3A_419, %dma_wait3A_423, %dma_wait3A_424] : memref<4096x50x128xf32, #tpu.memory_space<hbm>> -> memref<1x50x128xf32, #tpu.memory_space<hbm>>
          %dma_wait3A_426 = tpu.memref_squeeze %dma_wait3A_425 : memref<1x50x128xf32, #tpu.memory_space<hbm>> -> memref<50x128xf32, #tpu.memory_space<hbm>>
          %dma_wait3A_427 = arith.constant 0 : i32
          %dma_wait3A_428 = arith.constant 0 : i32
          %dma_wait3A_429 = tpu.memref_slice %arg4[%add3A_419, %dma_wait3A_427, %dma_wait3A_428] : memref<4096x50x128xf32, #tpu.memory_space<hbm>> -> memref<1x50x128xf32, #tpu.memory_space<hbm>>
          %dma_wait3A_430 = tpu.memref_squeeze %dma_wait3A_429 : memref<1x50x128xf32, #tpu.memory_space<hbm>> -> memref<50x128xf32, #tpu.memory_space<hbm>>
          %dma_wait3A_431 = arith.constant 50 : i32
          %dma_wait3A_432 = arith.constant 0 : i32
          %dma_wait3A_433 = tpu.memref_slice %arg7[%dma_wait3A_431, %dma_wait3A_432] : memref<100x128xf32, #tpu.memory_space<vmem>> -> memref<50x128xf32, #tpu.memory_space<vmem>>
          tpu.wait_dma2 semaphore(%arg15 : memref<!tpu.dma_semaphore, #tpu.memory_space<semaphore_mem>>) src(%dma_wait3A_433 : memref<50x128xf32, #tpu.memory_space<vmem>>) dst(%dma_wait3A_430 : memref<50x128xf32, #tpu.memory_space<hbm>>)
        } else {
        }
        %add3A_388 = arith.constant 3 : i32
        %add3A_389 = arith.addi %add3A_279, %add3A_388 : i32
        %dma_start3A_390 = arith.constant 0 : i32
        %dma_start3A_391 = tpu.memref_slice %arg5[%add3A_389, %dma_start3A_390] : memref<64x128xi32, #tpu.memory_space<vmem>> -> memref<1x100xi32, #tpu.memory_space<vmem>>
        %dma_start3A_392 = tpu.memref_squeeze %dma_start3A_391 : memref<1x100xi32, #tpu.memory_space<vmem>> -> memref<100xi32, #tpu.memory_space<vmem>>
        %dma_start3A_393 = arith.constant 0 : i32
        %dma_start3A_394 = arith.constant 0 : i32
        %dma_start3A_395 = tpu.memref_slice %arg3[%dma_start3A_393, %dma_start3A_394] : memref<100000x128xf32, #tpu.memory_space<hbm>> -> memref<100000x128xf32, #tpu.memory_space<hbm>>
        tpu.enqueue_indirect_dma source(%dma_start3A_395 : memref<100000x128xf32, #tpu.memory_space<hbm>>) target(%arg7 : memref<100x128xf32, #tpu.memory_space<vmem>>) offsets(%dma_start3A_392 : memref<100xi32, #tpu.memory_space<vmem>>) semaphore(%arg11 : memref<!tpu.dma_semaphore, #tpu.memory_space<semaphore_mem>>)
      } else {
      }
      %add3A_331 = arith.constant 3 : i32
      %add3A_332 = arith.addi %add3A_174, %add3A_331 : i32
      %dma_wait3A_333 = arith.constant 0 : i32
      %dma_wait3A_334 = tpu.memref_slice %arg5[%add3A_332, %dma_wait3A_333] : memref<64x128xi32, #tpu.memory_space<vmem>> -> memref<1x100xi32, #tpu.memory_space<vmem>>
      %dma_wait3A_335 = tpu.memref_squeeze %dma_wait3A_334 : memref<1x100xi32, #tpu.memory_space<vmem>> -> memref<100xi32, #tpu.memory_space<vmem>>
      %dma_wait3A_336 = arith.constant 0 : i32
      %dma_wait3A_337 = arith.constant 0 : i32
      %dma_wait3A_338 = tpu.memref_slice %arg3[%dma_wait3A_336, %dma_wait3A_337] : memref<100000x128xf32, #tpu.memory_space<hbm>> -> memref<100000x128xf32, #tpu.memory_space<hbm>>
      tpu.wait_indirect_dma semaphore(%arg13 : memref<!tpu.dma_semaphore, #tpu.memory_space<semaphore_mem>>) src(%dma_wait3A_338 : memref<100000x128xf32, #tpu.memory_space<hbm>>) dst(%arg9 : memref<100x128xf32, #tpu.memory_space<vmem>>)
      %mul3A_339 = arith.constant 2 : i32
      %mul3A_340 = arith.muli %add3A_332, %mul3A_339 : i32
      %add3A_341 = arith.addi %mul3A_2, %mul3A_340 : i32
      %add3A_342 = arith.constant 0 : i32
      %add3A_343 = arith.addi %add3A_341, %add3A_342 : i32
      %dma_start3A_344 = arith.constant 0 : i32
      %dma_start3A_345 = arith.constant 0 : i32
      %dma_start3A_346 = tpu.memref_slice %arg9[%dma_start3A_344, %dma_start3A_345] : memref<100x128xf32, #tpu.memory_space<vmem>> -> memref<50x128xf32, #tpu.memory_space<vmem>>
      %dma_start3A_347 = arith.constant 0 : i32
      %dma_start3A_348 = arith.constant 0 : i32
      %dma_start3A_349 = tpu.memref_slice %arg4[%add3A_343, %dma_start3A_347, %dma_start3A_348] : memref<4096x50x128xf32, #tpu.memory_space<hbm>> -> memref<1x50x128xf32, #tpu.memory_space<hbm>>
      %dma_start3A_350 = tpu.memref_squeeze %dma_start3A_349 : memref<1x50x128xf32, #tpu.memory_space<hbm>> -> memref<50x128xf32, #tpu.memory_space<hbm>>
      %dma_start3A_351 = arith.constant 0 : i32
      %dma_start3A_352 = arith.constant 0 : i32
      %dma_start3A_353 = tpu.memref_slice %arg4[%add3A_343, %dma_start3A_351, %dma_start3A_352] : memref<4096x50x128xf32, #tpu.memory_space<hbm>> -> memref<1x50x128xf32, #tpu.memory_space<hbm>>
      %dma_start3A_354 = tpu.memref_squeeze %dma_start3A_353 : memref<1x50x128xf32, #tpu.memory_space<hbm>> -> memref<50x128xf32, #tpu.memory_space<hbm>>
      %dma_start3A_355 = arith.constant 0 : i32
      %dma_start3A_356 = arith.constant 0 : i32
      %dma_start3A_357 = tpu.memref_slice %arg9[%dma_start3A_355, %dma_start3A_356] : memref<100x128xf32, #tpu.memory_space<vmem>> -> memref<50x128xf32, #tpu.memory_space<vmem>>
      tpu.enqueue_dma source(%dma_start3A_357 : memref<50x128xf32, #tpu.memory_space<vmem>>) target(%dma_start3A_354 : memref<50x128xf32, #tpu.memory_space<hbm>>) target_semaphore(%arg17 : memref<!tpu.dma_semaphore, #tpu.memory_space<semaphore_mem>>)
      %mul3A_358 = arith.constant 2 : i32
      %mul3A_359 = arith.muli %add3A_332, %mul3A_358 : i32
      %add3A_360 = arith.addi %mul3A_2, %mul3A_359 : i32
      %add3A_361 = arith.constant 1 : i32
      %add3A_362 = arith.addi %add3A_360, %add3A_361 : i32
      %dma_start3A_363 = arith.constant 50 : i32
      %dma_start3A_364 = arith.constant 0 : i32
      %dma_start3A_365 = tpu.memref_slice %arg9[%dma_start3A_363, %dma_start3A_364] : memref<100x128xf32, #tpu.memory_space<vmem>> -> memref<50x128xf32, #tpu.memory_space<vmem>>
      %dma_start3A_366 = arith.constant 0 : i32
      %dma_start3A_367 = arith.constant 0 : i32
      %dma_start3A_368 = tpu.memref_slice %arg4[%add3A_362, %dma_start3A_366, %dma_start3A_367] : memref<4096x50x128xf32, #tpu.memory_space<hbm>> -> memref<1x50x128xf32, #tpu.memory_space<hbm>>
      %dma_start3A_369 = tpu.memref_squeeze %dma_start3A_368 : memref<1x50x128xf32, #tpu.memory_space<hbm>> -> memref<50x128xf32, #tpu.memory_space<hbm>>
      %dma_start3A_370 = arith.constant 0 : i32
      %dma_start3A_371 = arith.constant 0 : i32
      %dma_start3A_372 = tpu.memref_slice %arg4[%add3A_362, %dma_start3A_370, %dma_start3A_371] : memref<4096x50x128xf32, #tpu.memory_space<hbm>> -> memref<1x50x128xf32, #tpu.memory_space<hbm>>
      %dma_start3A_373 = tpu.memref_squeeze %dma_start3A_372 : memref<1x50x128xf32, #tpu.memory_space<hbm>> -> memref<50x128xf32, #tpu.memory_space<hbm>>
      %dma_start3A_374 = arith.constant 50 : i32
      %dma_start3A_375 = arith.constant 0 : i32
      %dma_start3A_376 = tpu.memref_slice %arg9[%dma_start3A_374, %dma_start3A_375] : memref<100x128xf32, #tpu.memory_space<vmem>> -> memref<50x128xf32, #tpu.memory_space<vmem>>
      tpu.enqueue_dma source(%dma_start3A_376 : memref<50x128xf32, #tpu.memory_space<vmem>>) target(%dma_start3A_373 : memref<50x128xf32, #tpu.memory_space<hbm>>) target_semaphore(%arg17 : memref<!tpu.dma_semaphore, #tpu.memory_space<semaphore_mem>>)
      %add3A_377 = arith.constant 3 : i32
      %add3A_378 = arith.addi %add3A_332, %add3A_377 : i32
      %lt3A_379 = arith.constant 64 : i32
      %lt3A_380 = arith.cmpi slt, %add3A_378, %lt3A_379 : i32
      %convert_element_type3A_381 = arith.extui %lt3A_380 : i1 to i32
      %cond3A_382 = arith.constant 0 : i32
      %cond3A_383 = arith.cmpi ne, %convert_element_type3A_381, %cond3A_382 : i32
      scf.if %cond3A_383 {
        %ge3A = arith.constant 1 : i32
        %ge3A_384 = arith.cmpi sge, %add3A_332, %ge3A : i32
        %convert_element_type3A_385 = arith.extui %ge3A_384 : i1 to i32
        %cond3A_386 = arith.constant 0 : i32
        %cond3A_387 = arith.cmpi ne, %convert_element_type3A_385, %cond3A_386 : i32
        scf.if %cond3A_387 {
          %mul3A_396 = arith.constant 2 : i32
          %mul3A_397 = arith.muli %add3A_332, %mul3A_396 : i32
          %add3A_398 = arith.addi %mul3A_2, %mul3A_397 : i32
          %add3A_399 = arith.constant 0 : i32
          %add3A_400 = arith.addi %add3A_398, %add3A_399 : i32
          %dma_wait3A_401 = arith.constant 0 : i32
          %dma_wait3A_402 = arith.constant 0 : i32
          %dma_wait3A_403 = tpu.memref_slice %arg8[%dma_wait3A_401, %dma_wait3A_402] : memref<100x128xf32, #tpu.memory_space<vmem>> -> memref<50x128xf32, #tpu.memory_space<vmem>>
          %dma_wait3A_404 = arith.constant 0 : i32
          %dma_wait3A_405 = arith.constant 0 : i32
          %dma_wait3A_406 = tpu.memref_slice %arg4[%add3A_400, %dma_wait3A_404, %dma_wait3A_405] : memref<4096x50x128xf32, #tpu.memory_space<hbm>> -> memref<1x50x128xf32, #tpu.memory_space<hbm>>
          %dma_wait3A_407 = tpu.memref_squeeze %dma_wait3A_406 : memref<1x50x128xf32, #tpu.memory_space<hbm>> -> memref<50x128xf32, #tpu.memory_space<hbm>>
          %dma_wait3A_408 = arith.constant 0 : i32
          %dma_wait3A_409 = arith.constant 0 : i32
          %dma_wait3A_410 = tpu.memref_slice %arg4[%add3A_400, %dma_wait3A_408, %dma_wait3A_409] : memref<4096x50x128xf32, #tpu.memory_space<hbm>> -> memref<1x50x128xf32, #tpu.memory_space<hbm>>
          %dma_wait3A_411 = tpu.memref_squeeze %dma_wait3A_410 : memref<1x50x128xf32, #tpu.memory_space<hbm>> -> memref<50x128xf32, #tpu.memory_space<hbm>>
          %dma_wait3A_412 = arith.constant 0 : i32
          %dma_wait3A_413 = arith.constant 0 : i32
          %dma_wait3A_414 = tpu.memref_slice %arg8[%dma_wait3A_412, %dma_wait3A_413] : memref<100x128xf32, #tpu.memory_space<vmem>> -> memref<50x128xf32, #tpu.memory_space<vmem>>
          tpu.wait_dma2 semaphore(%arg16 : memref<!tpu.dma_semaphore, #tpu.memory_space<semaphore_mem>>) src(%dma_wait3A_414 : memref<50x128xf32, #tpu.memory_space<vmem>>) dst(%dma_wait3A_411 : memref<50x128xf32, #tpu.memory_space<hbm>>)
          %mul3A_415 = arith.constant 2 : i32
          %mul3A_416 = arith.muli %add3A_332, %mul3A_415 : i32
          %add3A_417 = arith.addi %mul3A_2, %mul3A_416 : i32
          %add3A_418 = arith.constant 1 : i32
          %add3A_419 = arith.addi %add3A_417, %add3A_418 : i32
          %dma_wait3A_420 = arith.constant 50 : i32
          %dma_wait3A_421 = arith.constant 0 : i32
          %dma_wait3A_422 = tpu.memref_slice %arg8[%dma_wait3A_420, %dma_wait3A_421] : memref<100x128xf32, #tpu.memory_space<vmem>> -> memref<50x128xf32, #tpu.memory_space<vmem>>
          %dma_wait3A_423 = arith.constant 0 : i32
          %dma_wait3A_424 = arith.constant 0 : i32
          %dma_wait3A_425 = tpu.memref_slice %arg4[%add3A_419, %dma_wait3A_423, %dma_wait3A_424] : memref<4096x50x128xf32, #tpu.memory_space<hbm>> -> memref<1x50x128xf32, #tpu.memory_space<hbm>>
          %dma_wait3A_426 = tpu.memref_squeeze %dma_wait3A_425 : memref<1x50x128xf32, #tpu.memory_space<hbm>> -> memref<50x128xf32, #tpu.memory_space<hbm>>
          %dma_wait3A_427 = arith.constant 0 : i32
          %dma_wait3A_428 = arith.constant 0 : i32
          %dma_wait3A_429 = tpu.memref_slice %arg4[%add3A_419, %dma_wait3A_427, %dma_wait3A_428] : memref<4096x50x128xf32, #tpu.memory_space<hbm>> -> memref<1x50x128xf32, #tpu.memory_space<hbm>>
          %dma_wait3A_430 = tpu.memref_squeeze %dma_wait3A_429 : memref<1x50x128xf32, #tpu.memory_space<hbm>> -> memref<50x128xf32, #tpu.memory_space<hbm>>
          %dma_wait3A_431 = arith.constant 50 : i32
          %dma_wait3A_432 = arith.constant 0 : i32
          %dma_wait3A_433 = tpu.memref_slice %arg8[%dma_wait3A_431, %dma_wait3A_432] : memref<100x128xf32, #tpu.memory_space<vmem>> -> memref<50x128xf32, #tpu.memory_space<vmem>>
          tpu.wait_dma2 semaphore(%arg16 : memref<!tpu.dma_semaphore, #tpu.memory_space<semaphore_mem>>) src(%dma_wait3A_433 : memref<50x128xf32, #tpu.memory_space<vmem>>) dst(%dma_wait3A_430 : memref<50x128xf32, #tpu.memory_space<hbm>>)
        } else {
        }
        %add3A_388 = arith.constant 3 : i32
        %add3A_389 = arith.addi %add3A_332, %add3A_388 : i32
        %dma_start3A_390 = arith.constant 0 : i32
        %dma_start3A_391 = tpu.memref_slice %arg5[%add3A_389, %dma_start3A_390] : memref<64x128xi32, #tpu.memory_space<vmem>> -> memref<1x100xi32, #tpu.memory_space<vmem>>
        %dma_start3A_392 = tpu.memref_squeeze %dma_start3A_391 : memref<1x100xi32, #tpu.memory_space<vmem>> -> memref<100xi32, #tpu.memory_space<vmem>>
        %dma_start3A_393 = arith.constant 0 : i32
        %dma_start3A_394 = arith.constant 0 : i32
        %dma_start3A_395 = tpu.memref_slice %arg3[%dma_start3A_393, %dma_start3A_394] : memref<100000x128xf32, #tpu.memory_space<hbm>> -> memref<100000x128xf32, #tpu.memory_space<hbm>>
        tpu.enqueue_indirect_dma source(%dma_start3A_395 : memref<100000x128xf32, #tpu.memory_space<hbm>>) target(%arg8 : memref<100x128xf32, #tpu.memory_space<vmem>>) offsets(%dma_start3A_392 : memref<100xi32, #tpu.memory_space<vmem>>) semaphore(%arg12 : memref<!tpu.dma_semaphore, #tpu.memory_space<semaphore_mem>>)
      } else {
      }
    }
    %scan3A_26 = arith.constant 16 : i32
    %add3A_27 = arith.constant 0 : i32
    %add3A_28 = arith.addi %mul3A_2, %add3A_27 : i32
    %add3A_29 = arith.constant 0 : i32
    %add3A_30 = arith.addi %add3A_28, %add3A_29 : i32
    %dma_wait3A = arith.constant 0 : i32
    %dma_wait3A_31 = arith.constant 0 : i32
    %dma_wait3A_32 = tpu.memref_slice %arg6[%dma_wait3A, %dma_wait3A_31] : memref<100x128xf32, #tpu.memory_space<vmem>> -> memref<50x128xf32, #tpu.memory_space<vmem>>
    %dma_wait3A_33 = arith.constant 0 : i32
    %dma_wait3A_34 = arith.constant 0 : i32
    %dma_wait3A_35 = tpu.memref_slice %arg4[%add3A_30, %dma_wait3A_33, %dma_wait3A_34] : memref<4096x50x128xf32, #tpu.memory_space<hbm>> -> memref<1x50x128xf32, #tpu.memory_space<hbm>>
    %dma_wait3A_36 = tpu.memref_squeeze %dma_wait3A_35 : memref<1x50x128xf32, #tpu.memory_space<hbm>> -> memref<50x128xf32, #tpu.memory_space<hbm>>
    %dma_wait3A_37 = arith.constant 0 : i32
    %dma_wait3A_38 = arith.constant 0 : i32
    %dma_wait3A_39 = tpu.memref_slice %arg4[%add3A_30, %dma_wait3A_37, %dma_wait3A_38] : memref<4096x50x128xf32, #tpu.memory_space<hbm>> -> memref<1x50x128xf32, #tpu.memory_space<hbm>>
    %dma_wait3A_40 = tpu.memref_squeeze %dma_wait3A_39 : memref<1x50x128xf32, #tpu.memory_space<hbm>> -> memref<50x128xf32, #tpu.memory_space<hbm>>
    %dma_wait3A_41 = arith.constant 0 : i32
    %dma_wait3A_42 = arith.constant 0 : i32
    %dma_wait3A_43 = tpu.memref_slice %arg6[%dma_wait3A_41, %dma_wait3A_42] : memref<100x128xf32, #tpu.memory_space<vmem>> -> memref<50x128xf32, #tpu.memory_space<vmem>>
    tpu.wait_dma2 semaphore(%arg14 : memref<!tpu.dma_semaphore, #tpu.memory_space<semaphore_mem>>) src(%dma_wait3A_43 : memref<50x128xf32, #tpu.memory_space<vmem>>) dst(%dma_wait3A_40 : memref<50x128xf32, #tpu.memory_space<hbm>>)
    %add3A_44 = arith.constant 0 : i32
    %add3A_45 = arith.addi %mul3A_2, %add3A_44 : i32
    %add3A_46 = arith.constant 1 : i32
    %add3A_47 = arith.addi %add3A_45, %add3A_46 : i32
    %dma_wait3A_48 = arith.constant 50 : i32
    %dma_wait3A_49 = arith.constant 0 : i32
    %dma_wait3A_50 = tpu.memref_slice %arg6[%dma_wait3A_48, %dma_wait3A_49] : memref<100x128xf32, #tpu.memory_space<vmem>> -> memref<50x128xf32, #tpu.memory_space<vmem>>
    %dma_wait3A_51 = arith.constant 0 : i32
    %dma_wait3A_52 = arith.constant 0 : i32
    %dma_wait3A_53 = tpu.memref_slice %arg4[%add3A_47, %dma_wait3A_51, %dma_wait3A_52] : memref<4096x50x128xf32, #tpu.memory_space<hbm>> -> memref<1x50x128xf32, #tpu.memory_space<hbm>>
    %dma_wait3A_54 = tpu.memref_squeeze %dma_wait3A_53 : memref<1x50x128xf32, #tpu.memory_space<hbm>> -> memref<50x128xf32, #tpu.memory_space<hbm>>
    %dma_wait3A_55 = arith.constant 0 : i32
    %dma_wait3A_56 = arith.constant 0 : i32
    %dma_wait3A_57 = tpu.memref_slice %arg4[%add3A_47, %dma_wait3A_55, %dma_wait3A_56] : memref<4096x50x128xf32, #tpu.memory_space<hbm>> -> memref<1x50x128xf32, #tpu.memory_space<hbm>>
    %dma_wait3A_58 = tpu.memref_squeeze %dma_wait3A_57 : memref<1x50x128xf32, #tpu.memory_space<hbm>> -> memref<50x128xf32, #tpu.memory_space<hbm>>
    %dma_wait3A_59 = arith.constant 50 : i32
    %dma_wait3A_60 = arith.constant 0 : i32
    %dma_wait3A_61 = tpu.memref_slice %arg6[%dma_wait3A_59, %dma_wait3A_60] : memref<100x128xf32, #tpu.memory_space<vmem>> -> memref<50x128xf32, #tpu.memory_space<vmem>>
    tpu.wait_dma2 semaphore(%arg14 : memref<!tpu.dma_semaphore, #tpu.memory_space<semaphore_mem>>) src(%dma_wait3A_61 : memref<50x128xf32, #tpu.memory_space<vmem>>) dst(%dma_wait3A_58 : memref<50x128xf32, #tpu.memory_space<hbm>>)
    %add3A_62 = arith.constant 0 : i32
    %add3A_63 = arith.addi %mul3A_2, %add3A_62 : i32
    %add3A_64 = arith.constant 0 : i32
    %add3A_65 = arith.addi %add3A_63, %add3A_64 : i32
    %dma_wait3A_66 = arith.constant 0 : i32
    %dma_wait3A_67 = arith.constant 0 : i32
    %dma_wait3A_68 = tpu.memref_slice %arg7[%dma_wait3A_66, %dma_wait3A_67] : memref<100x128xf32, #tpu.memory_space<vmem>> -> memref<50x128xf32, #tpu.memory_space<vmem>>
    %dma_wait3A_69 = arith.constant 0 : i32
    %dma_wait3A_70 = arith.constant 0 : i32
    %dma_wait3A_71 = tpu.memref_slice %arg4[%add3A_65, %dma_wait3A_69, %dma_wait3A_70] : memref<4096x50x128xf32, #tpu.memory_space<hbm>> -> memref<1x50x128xf32, #tpu.memory_space<hbm>>
    %dma_wait3A_72 = tpu.memref_squeeze %dma_wait3A_71 : memref<1x50x128xf32, #tpu.memory_space<hbm>> -> memref<50x128xf32, #tpu.memory_space<hbm>>
    %dma_wait3A_73 = arith.constant 0 : i32
    %dma_wait3A_74 = arith.constant 0 : i32
    %dma_wait3A_75 = tpu.memref_slice %arg4[%add3A_65, %dma_wait3A_73, %dma_wait3A_74] : memref<4096x50x128xf32, #tpu.memory_space<hbm>> -> memref<1x50x128xf32, #tpu.memory_space<hbm>>
    %dma_wait3A_76 = tpu.memref_squeeze %dma_wait3A_75 : memref<1x50x128xf32, #tpu.memory_space<hbm>> -> memref<50x128xf32, #tpu.memory_space<hbm>>
    %dma_wait3A_77 = arith.constant 0 : i32
    %dma_wait3A_78 = arith.constant 0 : i32
    %dma_wait3A_79 = tpu.memref_slice %arg7[%dma_wait3A_77, %dma_wait3A_78] : memref<100x128xf32, #tpu.memory_space<vmem>> -> memref<50x128xf32, #tpu.memory_space<vmem>>
    tpu.wait_dma2 semaphore(%arg15 : memref<!tpu.dma_semaphore, #tpu.memory_space<semaphore_mem>>) src(%dma_wait3A_79 : memref<50x128xf32, #tpu.memory_space<vmem>>) dst(%dma_wait3A_76 : memref<50x128xf32, #tpu.memory_space<hbm>>)
    %add3A_80 = arith.constant 0 : i32
    %add3A_81 = arith.addi %mul3A_2, %add3A_80 : i32
    %add3A_82 = arith.constant 1 : i32
    %add3A_83 = arith.addi %add3A_81, %add3A_82 : i32
    %dma_wait3A_84 = arith.constant 50 : i32
    %dma_wait3A_85 = arith.constant 0 : i32
    %dma_wait3A_86 = tpu.memref_slice %arg7[%dma_wait3A_84, %dma_wait3A_85] : memref<100x128xf32, #tpu.memory_space<vmem>> -> memref<50x128xf32, #tpu.memory_space<vmem>>
    %dma_wait3A_87 = arith.constant 0 : i32
    %dma_wait3A_88 = arith.constant 0 : i32
    %dma_wait3A_89 = tpu.memref_slice %arg4[%add3A_83, %dma_wait3A_87, %dma_wait3A_88] : memref<4096x50x128xf32, #tpu.memory_space<hbm>> -> memref<1x50x128xf32, #tpu.memory_space<hbm>>
    %dma_wait3A_90 = tpu.memref_squeeze %dma_wait3A_89 : memref<1x50x128xf32, #tpu.memory_space<hbm>> -> memref<50x128xf32, #tpu.memory_space<hbm>>
    %dma_wait3A_91 = arith.constant 0 : i32
    %dma_wait3A_92 = arith.constant 0 : i32
    %dma_wait3A_93 = tpu.memref_slice %arg4[%add3A_83, %dma_wait3A_91, %dma_wait3A_92] : memref<4096x50x128xf32, #tpu.memory_space<hbm>> -> memref<1x50x128xf32, #tpu.memory_space<hbm>>
    %dma_wait3A_94 = tpu.memref_squeeze %dma_wait3A_93 : memref<1x50x128xf32, #tpu.memory_space<hbm>> -> memref<50x128xf32, #tpu.memory_space<hbm>>
    %dma_wait3A_95 = arith.constant 50 : i32
    %dma_wait3A_96 = arith.constant 0 : i32
    %dma_wait3A_97 = tpu.memref_slice %arg7[%dma_wait3A_95, %dma_wait3A_96] : memref<100x128xf32, #tpu.memory_space<vmem>> -> memref<50x128xf32, #tpu.memory_space<vmem>>
    tpu.wait_dma2 semaphore(%arg15 : memref<!tpu.dma_semaphore, #tpu.memory_space<semaphore_mem>>) src(%dma_wait3A_97 : memref<50x128xf32, #tpu.memory_space<vmem>>) dst(%dma_wait3A_94 : memref<50x128xf32, #tpu.memory_space<hbm>>)
    %add3A_98 = arith.constant 0 : i32
    %add3A_99 = arith.addi %mul3A_2, %add3A_98 : i32
    %add3A_100 = arith.constant 0 : i32
    %add3A_101 = arith.addi %add3A_99, %add3A_100 : i32
    %dma_wait3A_102 = arith.constant 0 : i32
    %dma_wait3A_103 = arith.constant 0 : i32
    %dma_wait3A_104 = tpu.memref_slice %arg8[%dma_wait3A_102, %dma_wait3A_103] : memref<100x128xf32, #tpu.memory_space<vmem>> -> memref<50x128xf32, #tpu.memory_space<vmem>>
    %dma_wait3A_105 = arith.constant 0 : i32
    %dma_wait3A_106 = arith.constant 0 : i32
    %dma_wait3A_107 = tpu.memref_slice %arg4[%add3A_101, %dma_wait3A_105, %dma_wait3A_106] : memref<4096x50x128xf32, #tpu.memory_space<hbm>> -> memref<1x50x128xf32, #tpu.memory_space<hbm>>
    %dma_wait3A_108 = tpu.memref_squeeze %dma_wait3A_107 : memref<1x50x128xf32, #tpu.memory_space<hbm>> -> memref<50x128xf32, #tpu.memory_space<hbm>>
    %dma_wait3A_109 = arith.constant 0 : i32
    %dma_wait3A_110 = arith.constant 0 : i32
    %dma_wait3A_111 = tpu.memref_slice %arg4[%add3A_101, %dma_wait3A_109, %dma_wait3A_110] : memref<4096x50x128xf32, #tpu.memory_space<hbm>> -> memref<1x50x128xf32, #tpu.memory_space<hbm>>
    %dma_wait3A_112 = tpu.memref_squeeze %dma_wait3A_111 : memref<1x50x128xf32, #tpu.memory_space<hbm>> -> memref<50x128xf32, #tpu.memory_space<hbm>>
    %dma_wait3A_113 = arith.constant 0 : i32
    %dma_wait3A_114 = arith.constant 0 : i32
    %dma_wait3A_115 = tpu.memref_slice %arg8[%dma_wait3A_113, %dma_wait3A_114] : memref<100x128xf32, #tpu.memory_space<vmem>> -> memref<50x128xf32, #tpu.memory_space<vmem>>
    tpu.wait_dma2 semaphore(%arg16 : memref<!tpu.dma_semaphore, #tpu.memory_space<semaphore_mem>>) src(%dma_wait3A_115 : memref<50x128xf32, #tpu.memory_space<vmem>>) dst(%dma_wait3A_112 : memref<50x128xf32, #tpu.memory_space<hbm>>)
    %add3A_116 = arith.constant 0 : i32
    %add3A_117 = arith.addi %mul3A_2, %add3A_116 : i32
    %add3A_118 = arith.constant 1 : i32
    %add3A_119 = arith.addi %add3A_117, %add3A_118 : i32
    %dma_wait3A_120 = arith.constant 50 : i32
    %dma_wait3A_121 = arith.constant 0 : i32
    %dma_wait3A_122 = tpu.memref_slice %arg8[%dma_wait3A_120, %dma_wait3A_121] : memref<100x128xf32, #tpu.memory_space<vmem>> -> memref<50x128xf32, #tpu.memory_space<vmem>>
    %dma_wait3A_123 = arith.constant 0 : i32
    %dma_wait3A_124 = arith.constant 0 : i32
    %dma_wait3A_125 = tpu.memref_slice %arg4[%add3A_119, %dma_wait3A_123, %dma_wait3A_124] : memref<4096x50x128xf32, #tpu.memory_space<hbm>> -> memref<1x50x128xf32, #tpu.memory_space<hbm>>
    %dma_wait3A_126 = tpu.memref_squeeze %dma_wait3A_125 : memref<1x50x128xf32, #tpu.memory_space<hbm>> -> memref<50x128xf32, #tpu.memory_space<hbm>>
    %dma_wait3A_127 = arith.constant 0 : i32
    %dma_wait3A_128 = arith.constant 0 : i32
    %dma_wait3A_129 = tpu.memref_slice %arg4[%add3A_119, %dma_wait3A_127, %dma_wait3A_128] : memref<4096x50x128xf32, #tpu.memory_space<hbm>> -> memref<1x50x128xf32, #tpu.memory_space<hbm>>
    %dma_wait3A_130 = tpu.memref_squeeze %dma_wait3A_129 : memref<1x50x128xf32, #tpu.memory_space<hbm>> -> memref<50x128xf32, #tpu.memory_space<hbm>>
    %dma_wait3A_131 = arith.constant 50 : i32
    %dma_wait3A_132 = arith.constant 0 : i32
    %dma_wait3A_133 = tpu.memref_slice %arg8[%dma_wait3A_131, %dma_wait3A_132] : memref<100x128xf32, #tpu.memory_space<vmem>> -> memref<50x128xf32, #tpu.memory_space<vmem>>
    tpu.wait_dma2 semaphore(%arg16 : memref<!tpu.dma_semaphore, #tpu.memory_space<semaphore_mem>>) src(%dma_wait3A_133 : memref<50x128xf32, #tpu.memory_space<vmem>>) dst(%dma_wait3A_130 : memref<50x128xf32, #tpu.memory_space<hbm>>)
    %add3A_134 = arith.constant 0 : i32
    %add3A_135 = arith.addi %mul3A_2, %add3A_134 : i32
    %add3A_136 = arith.constant 0 : i32
    %add3A_137 = arith.addi %add3A_135, %add3A_136 : i32
    %dma_wait3A_138 = arith.constant 0 : i32
    %dma_wait3A_139 = arith.constant 0 : i32
    %dma_wait3A_140 = tpu.memref_slice %arg9[%dma_wait3A_138, %dma_wait3A_139] : memref<100x128xf32, #tpu.memory_space<vmem>> -> memref<50x128xf32, #tpu.memory_space<vmem>>
    %dma_wait3A_141 = arith.constant 0 : i32
    %dma_wait3A_142 = arith.constant 0 : i32
    %dma_wait3A_143 = tpu.memref_slice %arg4[%add3A_137, %dma_wait3A_141, %dma_wait3A_142] : memref<4096x50x128xf32, #tpu.memory_space<hbm>> -> memref<1x50x128xf32, #tpu.memory_space<hbm>>
    %dma_wait3A_144 = tpu.memref_squeeze %dma_wait3A_143 : memref<1x50x128xf32, #tpu.memory_space<hbm>> -> memref<50x128xf32, #tpu.memory_space<hbm>>
    %dma_wait3A_145 = arith.constant 0 : i32
    %dma_wait3A_146 = arith.constant 0 : i32
    %dma_wait3A_147 = tpu.memref_slice %arg4[%add3A_137, %dma_wait3A_145, %dma_wait3A_146] : memref<4096x50x128xf32, #tpu.memory_space<hbm>> -> memref<1x50x128xf32, #tpu.memory_space<hbm>>
    %dma_wait3A_148 = tpu.memref_squeeze %dma_wait3A_147 : memref<1x50x128xf32, #tpu.memory_space<hbm>> -> memref<50x128xf32, #tpu.memory_space<hbm>>
    %dma_wait3A_149 = arith.constant 0 : i32
    %dma_wait3A_150 = arith.constant 0 : i32
    %dma_wait3A_151 = tpu.memref_slice %arg9[%dma_wait3A_149, %dma_wait3A_150] : memref<100x128xf32, #tpu.memory_space<vmem>> -> memref<50x128xf32, #tpu.memory_space<vmem>>
    tpu.wait_dma2 semaphore(%arg17 : memref<!tpu.dma_semaphore, #tpu.memory_space<semaphore_mem>>) src(%dma_wait3A_151 : memref<50x128xf32, #tpu.memory_space<vmem>>) dst(%dma_wait3A_148 : memref<50x128xf32, #tpu.memory_space<hbm>>)
    %add3A_152 = arith.constant 0 : i32
    %add3A_153 = arith.addi %mul3A_2, %add3A_152 : i32
    %add3A_154 = arith.constant 1 : i32
    %add3A_155 = arith.addi %add3A_153, %add3A_154 : i32
    %dma_wait3A_156 = arith.constant 50 : i32
    %dma_wait3A_157 = arith.constant 0 : i32
    %dma_wait3A_158 = tpu.memref_slice %arg9[%dma_wait3A_156, %dma_wait3A_157] : memref<100x128xf32, #tpu.memory_space<vmem>> -> memref<50x128xf32, #tpu.memory_space<vmem>>
    %dma_wait3A_159 = arith.constant 0 : i32
    %dma_wait3A_160 = arith.constant 0 : i32
    %dma_wait3A_161 = tpu.memref_slice %arg4[%add3A_155, %dma_wait3A_159, %dma_wait3A_160] : memref<4096x50x128xf32, #tpu.memory_space<hbm>> -> memref<1x50x128xf32, #tpu.memory_space<hbm>>
    %dma_wait3A_162 = tpu.memref_squeeze %dma_wait3A_161 : memref<1x50x128xf32, #tpu.memory_space<hbm>> -> memref<50x128xf32, #tpu.memory_space<hbm>>
    %dma_wait3A_163 = arith.constant 0 : i32
    %dma_wait3A_164 = arith.constant 0 : i32
    %dma_wait3A_165 = tpu.memref_slice %arg4[%add3A_155, %dma_wait3A_163, %dma_wait3A_164] : memref<4096x50x128xf32, #tpu.memory_space<hbm>> -> memref<1x50x128xf32, #tpu.memory_space<hbm>>
    %dma_wait3A_166 = tpu.memref_squeeze %dma_wait3A_165 : memref<1x50x128xf32, #tpu.memory_space<hbm>> -> memref<50x128xf32, #tpu.memory_space<hbm>>
    %dma_wait3A_167 = arith.constant 50 : i32
    %dma_wait3A_168 = arith.constant 0 : i32
    %dma_wait3A_169 = tpu.memref_slice %arg9[%dma_wait3A_167, %dma_wait3A_168] : memref<100x128xf32, #tpu.memory_space<vmem>> -> memref<50x128xf32, #tpu.memory_space<vmem>>
    tpu.wait_dma2 semaphore(%arg17 : memref<!tpu.dma_semaphore, #tpu.memory_space<semaphore_mem>>) src(%dma_wait3A_169 : memref<50x128xf32, #tpu.memory_space<vmem>>) dst(%dma_wait3A_166 : memref<50x128xf32, #tpu.memory_space<hbm>>)
    return
  }
}

</mosaic_0001>

<sc_bundles>
// kernel: kernel.3.cloned.1.call-start
scs
__scs_entry_jumppad:
0x0: {  	(pc) =	sbr.rel $0x88, $3  }
0x1: {  	(tag) =	ssettag $0x0;
	lr =	simm.s32 $0x1  }
0x2: {  	[smem:$0x3F9F] =	sst lr;
	_ =	strace $0xD0000000  }
0x3: {  	_ = 	snop  }
0x4: {  	_ = 	snop  }
0x5: {  	_ = 	snop  }
0x6: {  	_ = 	snop  }
0x7: {  	_ = 	snop  }
__scs_overlays_trampoline_lowered:
0x8: {  	[smem:$0x3FAE] =	sst s0  }
0x9: {  	[smem:$0x3FAF] =	sst s1  }
0xa: {  	[smem:$0x3FB0] =	sst s2  }
0xb: {  	[smem:$0x3FB1] =	sst s3  }
0xc: {  	[smem:$0x3FB2] =	sst s4  }
0xd: {  	[smem:$0x3FB3] =	sst s5  }
0xe: {  	[smem:$0x3FB4] =	sst s6  }
0xf: {  	[smem:$0x3FB5] =	sst s7  }
0x10: {  	[smem:$0x3FB6] =	sst s8  }
0x11: {  	[smem:$0x3FB7] =	sst s9;
	s0 =	simm.s32 @!p0 $0x0  }
0x12: {  	s1 =	sld [smem:$0x3F9D];
	s0 =	simm.s32 @p0 $0x1  }
0x13: {  	[smem:$0x3FB8] =	sst s0;
	s0 =	simm.s32 @!p1 $0x0  }
0x14: {  	s2 =	sld [smem:$0x3F9C];
	s0 =	simm.s32 @p1 $0x1  }
0x15: {  	[smem:$0x3FB9] =	sst s0;
	s0 =	simm.s32 @!p2 $0x0  }
0x16: {  	s3 =	sld [smem:$0x3FDB];
	s0 =	simm.s32 @p2 $0x1  }
0x17: {  	s4 =	simm.s32 $0x1BF5;
	[smem:$0x3FBB] =	sst s0  }
0x18: {  	s0 =	sld [smem:$0x3F9E];
	_ =	swait.ge [sflag:s4], $0x0  }
0x19: {  	s7 =	sld [smem:$0x3F9F]  }
0x1a: {  	s8 =	sadd.s32 $0xFFFFE003, lr  }
0x1b: {  	s9 =	sadd.s32 $0xFFFFFEF7, lr;
	s5 =	simm.s32 $0xFFFFFFFF;
	p2 =	slt.u32 s8, $0xFFFFF086  }
0x1c: {  	p1 =	slt.u32 s9, $0xF7A;
	s5 =	simm.s32 @!p2 $0x0  }
0x1d: {  	s5 =	simm.s32 @p1 $0x1;
	p0 =	seq.s32 s7, s2  }
0x1e: {  	s7 =	smul.u32 @!p0 $0xF7A, s2;
	p2 =	seq.s32 @!p0 s5, $0x0  }
0x1f: {  	s9 =	smul.u32 $0xF7A, s1;
	s8 =	simm.s32 @!p0 $0x1BF5;
	p2 =	por !p2, p0  }
0x20: {  	[sflag:s8] =	ssyncset.s32 @!p0 $0xFFFFF086;
	s6 =	sadd.s32 @!p0 s3, s7;
	s7 =	simm.s32 @!p0 $0x108  }
0x21: {  	s3 =	sadd.s32 s3, s9;
	s6 =	sadd.s32 @!p0 $0x88, s6;
	s7 =	simm.s32 @p2 $0x1082  }
0x22: {  	[simem:s7], [sflag:s8] =	dma.local @!p0 [hbm:s6], $0xF7A  }
0x23: {  	s9 =	sor.u32 $0xD0000000, s2;
	s6 =	simm.s32 $0x108;
	_ =	swait.ge @!p0 [sflag:s8], $0x0  }
0x24: {  	s3 =	sadd.s32 $0x88, s3;
	s6 =	simm.s32 @!p1 $0x1082;
	[sflag:s4] =	ssyncset.s32 $0xFFFFF086  }
0x25: {  	[simem:s6], [sflag:s4] =	dma.local [hbm:s3], $0xF7A  }
0x26: {  	[smem:$0x3F9F] =	sst s1;
	(tag) =	ssettag s2;
	_ =	strace s9  }
0x27: {  	s1 =	sld [smem:$0x3FAF]  }
0x28: {  	s2 =	sld [smem:$0x3FB0]  }
0x29: {  	s4 =	sld [smem:$0x3FB2]  }
0x2a: {  	p0 =	seq.s32 s5, $0x0;
	s5 =	sld [smem:$0x3FB3]  }
0x2b: {  	s6 =	sld [smem:$0x3FB4]  }
0x2c: {  	s7 =	sld [smem:$0x3FB5]  }
0x2d: {  	s3 =	simm.s32 $0x108;
	s8 =	sld [smem:$0x3FB6]  }
0x2e: {  	s3 =	simm.s32 @!p0 $0x1082;
	s9 =	sld [smem:$0x3FB7]  }
0x2f: {  	lr =	sadd.s32 s0, s3;
	s0 =	sld [smem:$0x3FAE]  }
0x30: {  	s3 =	sld [smem:$0x3FB1]  }
0x31: {  	[smem:$0x3FBA] =	sst s10  }
0x32: {  	s10 =	sld [smem:$0x3FB8];
	_ =	sdelay $0x3  }
0x33: {  	p0 =	seq.s32 s10, $0x1;
	s10 =	sld [smem:$0x3FBA];
	_ =	sdelay $0x3  }
0x34: {  	[smem:$0x3FBA] =	sst s10  }
0x35: {  	s10 =	sld [smem:$0x3FB9];
	_ =	sdelay $0x3  }
0x36: {  	p1 =	seq.s32 s10, $0x1;
	s10 =	sld [smem:$0x3FBA];
	_ =	sdelay $0x3  }
0x37: {  	[smem:$0x3FBA] =	sst s10  }
0x38: {  	s10 =	sld [smem:$0x3FBB]  }
0x39: {  	_ = 	snop;
	(pc) =	sbr.ind lr, $3  }
0x3a: {  	_ = 	snop  }
0x3b: {  	_ = 	snop  }
0x3c: {  	p2 =	seq.s32 s10, $0x1;
	s10 =	sld [smem:$0x3FBA]  }
0x3d: {  	_ =	shalt  }
0x3e: {  	_ =	shalt  }
0x3f: {  	_ =	shalt  }
0x40: {  	_ =	shalt  }
0x41: {  	_ =	shalt  }
0x42: {  	_ =	shalt  }
0x43: {  	_ =	shalt  }
0x44: {  	_ =	shalt  }
0x45: {  	_ =	shalt  }
0x46: {  	_ =	shalt  }
0x47: {  	_ =	shalt  }
0x48: {  	_ =	shalt  }
0x49: {  	_ =	shalt  }
0x4a: {  	_ =	shalt  }
0x4b: {  	_ =	shalt  }
0x4c: {  	_ =	shalt  }
0x4d: {  	_ =	shalt  }
0x4e: {  	_ =	shalt  }
0x4f: {  	_ =	shalt  }
0x50: {  	_ =	shalt  }
0x51: {  	_ =	shalt  }
0x52: {  	_ =	shalt  }
0x53: {  	_ =	shalt  }
0x54: {  	_ =	shalt  }
0x55: {  	_ =	shalt  }
0x56: {  	_ =	shalt  }
0x57: {  	_ =	shalt  }
0x58: {  	_ =	shalt  }
0x59: {  	_ =	shalt  }
0x5a: {  	_ =	shalt  }
0x5b: {  	_ =	shalt  }
0x5c: {  	_ =	shalt  }
0x5d: {  	_ =	shalt  }
0x5e: {  	_ =	shalt  }
0x5f: {  	_ =	shalt  }
0x60: {  	_ =	shalt  }
0x61: {  	_ =	shalt  }
0x62: {  	_ =	shalt  }
0x63: {  	_ =	shalt  }
0x64: {  	_ =	shalt  }
0x65: {  	_ =	shalt  }
0x66: {  	_ =	shalt  }
0x67: {  	_ =	shalt  }
0x68: {  	_ =	shalt  }
0x69: {  	_ =	shalt  }
0x6a: {  	_ =	shalt  }
0x6b: {  	_ =	shalt  }
0x6c: {  	_ =	shalt  }
0x6d: {  	_ =	shalt  }
0x6e: {  	_ =	shalt  }
0x6f: {  	_ =	shalt  }
0x70: {  	_ =	shalt  }
0x71: {  	_ =	shalt  }
0x72: {  	_ =	shalt  }
0x73: {  	_ =	shalt  }
0x74: {  	_ =	shalt  }
0x75: {  	_ =	shalt  }
0x76: {  	_ =	shalt  }
0x77: {  	_ =	shalt  }
0x78: {  	_ =	shalt  }
0x79: {  	_ =	shalt  }
0x7a: {  	_ =	shalt  }
0x7b: {  	_ =	shalt  }
0x7c: {  	_ =	shalt  }
0x7d: {  	_ =	shalt  }
0x7e: {  	_ =	shalt  }
0x7f: {  	_ =	shalt  }
0x80: {  	_ =	shalt  }
0x81: {  	_ =	shalt  }
0x82: {  	_ =	shalt  }
0x83: {  	_ =	shalt  }
0x84: {  	_ =	shalt  }
0x85: {  	_ =	shalt  }
0x86: {  	_ =	shalt  }
0x87: {  	_ =	shalt  }
.Lfunc_end0:
.L_simem_size_0:
called_computation_lowered:
.L_overlay_start_0:
0x88: {  	s2 =	sld [smem:$0x3FD9]  }
0x89: {  	s3 =	sld [smem:$0x3FFE];
	_ =	sdelay $0x1  }
0x8a: {  	s1 =	srdreg.scid  }
0x8b: {  	s0 =	sand.u32 $0x1, s1  }
0x8c: {  	s17 =	sshll.u32 s0, $0xA;
	s2 =	sadd.s32 s3, s2  }
0x8d: {  	s2 =	sadd.s32 s2, s17  }
0x8e: {  	[smem:$0x3FC6] =	sst s2  }
0x8f: {  	_ = 	snop  }
0x90: {  	s2 =	sld [smem:$0x3FC8]  }
0x91: {  	s18 =	sld [smem:$0x3FD0];
	(tm) =	ssettm $0x1  }
0x92: {  	s4 =	sld [smem:$0x3FFB];
	_ =	sdelay $0x3  }
0x93: {  	_ =	strace s4  }
0x94: {  	s4 =	sld [smem:$0x3FFC];
	_ =	sdelay $0x3  }
0x95: {  	_ =	strace s4  }
0x96: {  	s4 =	sld [smem:$0x3FFD];
	_ =	sdelay $0x3  }
0x97: {  	_ =	strace s4  }
0x98: {  	_ =	strace $0x8FFFFFFF  }
0x99: {  	s19 =	sld [smem:$0x3FDB];
	_ =	sdelay $0x1  }
0x9a: {  	s5 =	simm.s32 $_scs_section_size  }
0x9b: {  	s6 =	simm.s32 $_size__tile_overlayer_lowered;
	s7 =	simm.s32 $_tile_overlayer_lowered  }
0x9c: {  	s22 =	simm.s32 $0x1BFF;
	s21 =	sshll.u32 s7, $0x1;
	s4 =	sadd.s32 s5, s19  }
0x9d: {  	s8 =	simm.s32 $0x0;
	s20 =	sshll.u32 s6, $0x1;
	s6 =	sadd.s32 s21, s4  }
0x9e: {  	[timem:s8], [sflag:s22] =	dma.local [hbm:s6], s20  }
0x9f: {  	_ =	swait.ge [sflag:s22], s20  }
0xa0: {  	s5 =	ssub.s32 $0x0, s20;
	[sflag:s22] =	ssyncset.done $0x0  }
0xa1: {  	[sflag:s22] =	ssyncadd.s32 s5;
	_ =	sdelay $0x1  }
0xa2: {  	s23 =	simm.s32 $0x1B8B  }
0xa3: {  	_ =	swait.ge [sflag:s23], $0x1  }
0xa4: {  	[sflag:s23] =	ssyncset.done $0x0  }
0xa5: {  	s25 =	simm.s32 $0x1B8E;
	s24 =	sld [smem:$0x3FFE];
	[sflag:s23] =	ssyncadd.s32 $0xFFFFFFFF  }
0xa6: {  	s26 =	simm.s32 $execute0_lowered;
	[smem:$0x3FD2] =	sst s25  }
0xa7: {  	s6 =	sshll.u32 s26, $0x1;
	_ =	strace $0x80000046;
	[dreg:$0x1] =	wrdreg $0xFFFFFFFF  }
0xa8: {  	s28 =	simm.s32 $_size_execute0_lowered;
	s4 =	sadd.s32 s4, s6;
	[dreg:$0x0] =	wrdreg $0x0  }
0xa9: {  	s6 =	sshll.u32 s28, $0x1;
	[dreg:$0x2] =	wrdreg s4  }
0xaa: {  	[dreg:$0x3] =	wrdreg s6  }
0xab: {  	[dreg:$0x4] =	wrdreg $0xC0  }
0xac: {  	_ =	task [dreg:s8], $0x5FFFF  }
0xad: {  	[dreg:$0x1] =	wrdreg $0xFFFFFFFF  }
0xae: {  	[dreg:$0x0] =	wrdreg $0x60  }
0xaf: {  	[dreg:$0x2] =	wrdreg s18  }
0xb0: {  	[dreg:$0x3] =	wrdreg s2  }
0xb1: {  	[dreg:$0x4] =	wrdreg s24  }
0xb2: {  	[dreg:$0x5] =	wrdreg $0x9  }
0xb3: {  	_ =	task.clear_ibuf [dreg:s8], $0x6FFFF;
	_ =	strace $0x90000046  }
0xb4: {  	s29 =	simm.s32 $0x9;
	_ =	strace $0x80000048  }
0xb5: {  	_ =	swait.ge [sflag:s29], $0x1  }
0xb6: {  	[sflag:s29] =	ssyncadd.s32 $0xFFFFFFFF  }
0xb7: {  	_ =	strace $0x90000048  }
0xb8: {  	_ =	sfence  }
0xb9: {  	s30 =	sld [smem:$0x0];
	_ =	sdelay $0x2  }
0xba: {  	s31 =	sshll.u32 s1, $0xD;
	s1 =	sshrl.u32 s1, $0x2  }
0xbb: {  	s3 =	sand.u32 $0x4000, s31;
	s1 =	sadd.s32 s1, s30  }
0xbc: {  	s0 =	sor.u32 s3, s0;
	s1 =	sshll.u32 s1, $0x11  }
0xbd: {  	s0 =	sor.u32 s1, s0  }
0xbe: {  	s0 =	sadd.s32 $0x8F2B, s0  }
0xbf: {  	[sflag:s0] =	ssyncadd.remote.s32 $0x1  }
0xc0: {  	_ =	sfence.sel $0xFFFF  }
0xc1: {  	[dreg:$0x0] =	wrdreg $0xFFFFFFFF;
	(pc) =	sbr.abs _section_cstart, $3  }
0xc2: {  	[dreg:$0x1] =	wrdreg $0xFFFFFFFF  }
0xc3: {  	_ =	task.clear_ibuf [dreg:s8], $0x2FFFF;
	_ =	strace $0x9FFFFFFF  }
0xc4: {  	(tm) =	ssettm $0x7FFFFFFF  }
0xc5: {  	_ =	shalt  }
tec
execute0_lowered:
.L_overlay_start_1:
0x0: {  	(tag) =	ssettag $0x1  }
0x1: {  	s0 =	rddreg [dreg:$0x0]  }
0x2: {  	s2 =	rddreg [dreg:$0x1]  }
0x3: {  	s1 =	rddreg [dreg:$0x2]  }
0x4: {  	s4 =	srdreg.scid;
	s11 =	stileid.u32  }
0x5: {  	s3 =	simm.s32 $0x0;
	s12 =	simm.s32 $0x2000;
	s14 =	simm.s32 $0x5400  }
0x6: {  	s16 =	simm.s32 $0x8800;
	s17 =	simm.s32 $0x1;
	s18 =	simm.s32 $0x3900  }
0x7: {  	s28 =	simm.s32 $0x6;
	s29 =	simm.s32 $0x7;
	s30 =	simm.s32 $0x8  }
0x8: {  	s31 =	simm.s32 $0x0;
	s7 =	sand.u32 $0x1, s4;
	s19 =	smul.u32 $0x1C0000, s11  }
0x9: {  	[smem:$0x7FF] =	sst s3;
	s1 =	sadd.s32 $0x400, s1;
	s24 =	smul.u32 $0x38000, s11  }
0xa: {  	s8 =	sshll.u32 s11, $0xB;
	s11 =	simm.s32 $0x64;
	s5 =	smul.u32 $0xE0000, s7  }
0xb: {  	_ =	strace $0x80000047;
	s6 =	ssub.s32 $0x2, s7;
	s9 =	sshll.u32 s7, $0xA  }
0xc: {  	s7 =	smul.u32 $0x1C000, s7;
	s20 =	sshrl.u32 s6, $0x1;
	s21 =	sor.u32 s9, s8  }
0xd: {  	s10 =	sadd.s32 s5, s19;
	s6 =	ssub.s32 s6, s20;
	s0 =	sadd.s32 s0, s21  }
0xe: {  	s19 =	simm.s32 $0xBC00;
	s20 =	simm.s32 $0x2;
	s21 =	simm.s32 $0x6D00  }
0xf: {  	s22 =	sor.u32 $0x8C00, s10;
	[dreg:$0x4] =	wrdreg s0;
	s4 =	smax.u32 s6, $0x1  }
0x10: {  	s25 =	sor.u32 $0x5400, s10;
	s26 =	sor.u32 $0xC400, s10;
	s0 =	sadd.s32 s24, s1  }
.Ltmp0:
0x11: {  	s10 =	simm.s32 $0x9;
	s24 =	simm.s32 $0x4;
	(pc) =	sbr.rel .LBB2_1-.Ltmp0, $4  }
0x12: {  	s23 =	sshrl.u32 s22, $0x3;
	[dreg:$0x5] =	wrdreg s4;
	s8 =	sshrl.u32 s25, $0x3  }
0x13: {  	s9 =	sshrl.u32 s26, $0x3;
	s7 =	sadd.s32 s7, s0;
	s22 =	simm.s32 $0x3  }
0x14: {  	s25 =	simm.s32 $0xD500;
	s26 =	simm.s32 $0x5;
	s6 =	sadd.s32 s23, s1  }
0x15: {  	s8 =	sadd.s32 s8, s1;
	s9 =	sadd.s32 s9, s1;
	s23 =	simm.s32 $0xA100  }
.LBB2_4:
0x16: {  	_ =	swait.ge [sflag:s26], $0x1900  }
0x17: {  	[sflag:s26] =	ssyncset.done $0x0  }
0x18: {  	[sflag:s26] =	ssyncadd.s32 $0xFFFFE700  }
0x19: {  	_ =	swait.ge [sflag:s26], $0x1900  }
0x1a: {  	[sflag:s26] =	ssyncset.done $0x0  }
0x1b: {  	[sflag:s26] =	ssyncadd.s32 $0xFFFFE700  }
0x1c: {  	_ =	swait.ge [sflag:s28], $0x1900  }
0x1d: {  	[sflag:s28] =	ssyncset.done $0x0  }
0x1e: {  	[sflag:s28] =	ssyncadd.s32 $0xFFFFE700  }
0x1f: {  	_ =	swait.ge [sflag:s28], $0x1900  }
0x20: {  	[sflag:s28] =	ssyncset.done $0x0  }
0x21: {  	[sflag:s28] =	ssyncadd.s32 $0xFFFFE700  }
0x22: {  	_ =	swait.ge [sflag:s29], $0x1900  }
0x23: {  	[sflag:s29] =	ssyncset.done $0x0  }
0x24: {  	[sflag:s29] =	ssyncadd.s32 $0xFFFFE700  }
0x25: {  	_ =	swait.ge [sflag:s29], $0x1900  }
0x26: {  	[sflag:s29] =	ssyncset.done $0x0  }
0x27: {  	[sflag:s29] =	ssyncadd.s32 $0xFFFFE700  }
0x28: {  	_ =	swait.ge [sflag:s30], $0x1900  }
0x29: {  	[sflag:s30] =	ssyncset.done $0x0  }
0x2a: {  	[sflag:s30] =	ssyncadd.s32 $0xFFFFE700  }
0x2b: {  	_ =	swait.ge [sflag:s30], $0x1900  }
0x2c: {  	s31 =	sadd.s32 $0x1, s31;
	s0 =	rddreg [dreg:$0x5]  }
0x2d: {  	p0 =	sne.s32 s31, s0  }
.Ltmp1:
0x2e: {  	_ = 	snop;
	(pc) =	sbr.rel @!p0 .LBB2_5-.Ltmp1, $3  }
0x2f: {  	_ =	sdelay $0x1  }
0x30: {  	[sflag:s30] =	ssyncset.done $0x0  }
0x31: {  	[sflag:s30] =	ssyncadd.s32 $0xFFFFE700  }
.LBB2_1:
0x32: {  	s0 =	rddreg [dreg:$0x4]  }
0x33: {  	[tilespmem:s3], [sflag:$0x9] =	stream.linear.gather [hbm4b:s0+s3], $0x2000, $0x38;
	[tilespmem:$0xF000] =	vst v63  }
0x34: {  	_ =	swait.ge [sflag:s10], $0x2000  }
0x35: {  	[sflag:s10] =	ssyncset.done $0x0  }
0x36: {  	[sflag:s10] =	ssyncadd.s32 $0xFFFFE000  }
0x37: {  	[tilespmem:s12], [sflag:$0x1] =	stream.indirect.gather [hbm4b:s2+s11], $0x80, s3, s11, $0xb8;
	[tilespmem:$0xF000] =	vst v63  }
0x38: {  	s13 =	simm.s32 $0x80  }
0x39: {  	[tilespmem:s14], [sflag:$0x2] =	stream.indirect.gather [hbm4b:s2+s11], $0x80, s13, s11, $0xb8;
	[tilespmem:$0xF000] =	vst v63  }
0x3a: {  	s15 =	simm.s32 $0x100;
	s1 =	simm.s32 $0x0;
	s0 =	simm.s32 $0x300  }
0x3b: {  	[tilespmem:s16], [sflag:$0x3] =	stream.indirect.gather [hbm4b:s2+s11], $0x80, s15, s11, $0xb8;
	[tilespmem:$0xF000] =	vst v63  }
.LBB2_2:
0x3c: {  	_ =	swait.ge [sflag:s17], $0x3200  }
0x3d: {  	[sflag:s17] =	ssyncset.done $0x0  }
0x3e: {  	s13 =	sadd.s32 s1, s7;
	[sflag:s17] =	ssyncadd.s32 $0xFFFFCE00  }
0x3f: {  	[hbm4b:s13+s3] =	stream.linear.scatter [tilespmem:s12], [sflag:$0x5], $0x1900, $0x38;
	[tilespmem:$0xF000] =	vst v63  }
0x40: {  	p0 =	seq.s32 s1, $0x0;
	s15 =	sadd.s32 $0x380, s13  }
0x41: {  	[hbm4b:s15+s3] =	stream.linear.scatter [tilespmem:s18], [sflag:$0x5], $0x1900, $0x38;
	[tilespmem:$0xF000] =	vst v63  }
0x42: {  	s15 =	simm.s32 @!p0 $0x8  }
0x43: {  	_ =	swait.ge @!p0 [sflag:s15], $0x1900  }
0x44: {  	[sflag:s15] =	ssyncset.done @!p0 $0x0  }
0x45: {  	[sflag:s15] =	ssyncadd.s32 @!p0 $0xFFFFE700  }
0x46: {  	_ =	swait.ge @!p0 [sflag:s15], $0x1900  }
0x47: {  	[sflag:s15] =	ssyncset.done @!p0 $0x0  }
0x48: {  	s5 =	sadd.s32 $0xFFFFFE80, s0;
	[sflag:s15] =	ssyncadd.s32 @!p0 $0xFFFFE700  }
0x49: {  	[tilespmem:s19], [sflag:$0x4] =	stream.indirect.gather [hbm4b:s2+s11], $0x80, s5, s11, $0xb8;
	[tilespmem:$0xF000] =	vst v63  }
0x4a: {  	_ =	swait.ge [sflag:s20], $0x3200  }
0x4b: {  	[sflag:s20] =	ssyncset.done $0x0  }
0x4c: {  	s4 =	sadd.s32 $0x700, s13;
	p0 =	seq.s32 s1, $0x1A400;
	[sflag:s20] =	ssyncadd.s32 $0xFFFFCE00  }
0x4d: {  	[hbm4b:s4+s3] =	stream.linear.scatter [tilespmem:s14], [sflag:$0x6], $0x1900, $0x38;
	[tilespmem:$0xF000] =	vst v63  }
0x4e: {  	s5 =	sadd.s32 s1, s8;
	s15 =	simm.s32 @!p0 $0x5  }
0x4f: {  	[hbm4b:s5+s3] =	stream.linear.scatter [tilespmem:s21], [sflag:$0x6], $0x1900, $0x38;
	[tilespmem:$0xF000] =	vst v63  }
0x50: {  	_ =	swait.ge @!p0 [sflag:s15], $0x1900  }
0x51: {  	[sflag:s15] =	ssyncset.done @!p0 $0x0  }
0x52: {  	[sflag:s15] =	ssyncadd.s32 @!p0 $0xFFFFE700  }
0x53: {  	_ =	swait.ge @!p0 [sflag:s15], $0x1900  }
0x54: {  	s4 =	simm.s32 @!p0 $0x64;
	[sflag:s15] =	ssyncset.done @!p0 $0x0  }
0x55: {  	s5 =	simm.s32 @!p0 $0x2000;
	[sflag:s15] =	ssyncadd.s32 @!p0 $0xFFFFE700;
	s15 =	sadd.s32 @!p0 $0xFFFFFF00, s0  }
0x56: {  	[tilespmem:s5], [sflag:$0x1] =	stream.indirect.gather @!p0 [hbm4b:s2+s4], $0x80, s15, s4, $0xb8;
	[tilespmem:$0xF000] =	vst v63  }
0x57: {  	_ =	swait.ge [sflag:s22], $0x3200  }
0x58: {  	[sflag:s22] =	ssyncset.done $0x0  }
0x59: {  	s15 =	sadd.s32 $0xE00, s13;
	[sflag:s22] =	ssyncadd.s32 $0xFFFFCE00  }
0x5a: {  	[hbm4b:s15+s3] =	stream.linear.scatter [tilespmem:s16], [sflag:$0x7], $0x1900, $0x38;
	[tilespmem:$0xF000] =	vst v63  }
0x5b: {  	s5 =	simm.s32 @!p0 $0x6;
	s15 =	sadd.s32 s1, s6  }
0x5c: {  	[hbm4b:s15+s3] =	stream.linear.scatter [tilespmem:s23], [sflag:$0x7], $0x1900, $0x38;
	[tilespmem:$0xF000] =	vst v63  }
0x5d: {  	_ =	swait.ge @!p0 [sflag:s5], $0x1900  }
0x5e: {  	[sflag:s5] =	ssyncset.done @!p0 $0x0  }
0x5f: {  	[sflag:s5] =	ssyncadd.s32 @!p0 $0xFFFFE700  }
0x60: {  	_ =	swait.ge @!p0 [sflag:s5], $0x1900  }
0x61: {  	[sflag:s5] =	ssyncset.done @!p0 $0x0  }
0x62: {  	s15 =	simm.s32 @!p0 $0x5400;
	[sflag:s5] =	ssyncadd.s32 @!p0 $0xFFFFE700;
	s5 =	sadd.s32 @!p0 $0xFFFFFF80, s0  }
0x63: {  	[tilespmem:s15], [sflag:$0x2] =	stream.indirect.gather @!p0 [hbm4b:s2+s4], $0x80, s5, s4, $0xb8;
	[tilespmem:$0xF000] =	vst v63  }
0x64: {  	_ =	swait.ge [sflag:s24], $0x3200  }
.Ltmp2:
0x65: {  	[sflag:s24] =	ssyncset.done $0x0;
	(pc) =	sbr.rel @p0 .LBB2_4-.Ltmp2, $4  }
0x66: {  	s13 =	sadd.s32 $0x1500, s13;
	[sflag:s24] =	ssyncadd.s32 $0xFFFFCE00  }
0x67: {  	[hbm4b:s13+s3] =	stream.linear.scatter [tilespmem:s19], [sflag:$0x8], $0x1900, $0x38;
	[tilespmem:$0xF000] =	vst v63  }
0x68: {  	s15 =	sadd.s32 s1, s9  }
0x69: {  	[hbm4b:s15+s3] =	stream.linear.scatter [tilespmem:s25], [sflag:$0x8], $0x1900, $0x38;
	[tilespmem:$0xF000] =	vst v63  }
0x6a: {  	_ =	swait.ge [sflag:s29], $0x1900  }
0x6b: {  	[sflag:s29] =	ssyncset.done $0x0  }
0x6c: {  	[sflag:s29] =	ssyncadd.s32 $0xFFFFE700  }
.Ltmp3:
0x6d: {  	_ =	swait.ge [sflag:s29], $0x1900;
	(pc) =	sbr.rel .LBB2_2-.Ltmp3, $4  }
0x6e: {  	[sflag:s29] =	ssyncset.done $0x0  }
0x6f: {  	[sflag:s29] =	ssyncadd.s32 $0xFFFFE700  }
0x70: {  	[tilespmem:s16], [sflag:$0x3] =	stream.indirect.gather [hbm4b:s2+s11], $0x80, s0, s11, $0xb8;
	[tilespmem:$0xF000] =	vst v63  }
0x71: {  	s1 =	sadd.s32 $0x1C00, s1;
	s0 =	sadd.s32 $0x200, s0  }
.LBB2_5:
0x72: {  	_ =	sfence.sel $0x180000  }
0x73: {  	[bflag:$0x0] =	sbarrier.arrive $0xFFFF  }
0x74: {  	_ =	strace $0x90000047  }
0x75: {  	s0 =	stileid.u32;
	[bflag:$0x2] =	sbarrier.arrive $0xFFFF  }
0x76: {  	p0 =	sne.s32 s0, $0x0;
	s0 =	rddreg [dreg:$0x3]  }
0x77: {  	s0 =	sadd.s32 @!p0 $0x100000, s0  }
0x78: {  	[sflag:s0] =	ssyncadd.tile.s32 @!p0 $0x1;
	_ =	shalt  }
.Lfunc_end2:
_tile_overlayer_lowered:
.L_overlay_start_2:
0x79: {  	(tag) =	ssettag $0x2  }
0x7a: {  	s0 =	rddreg [dreg:$0x0];
	s2 =	stileid.u32  }
0x7b: {  	s1 =	rddreg [dreg:$0x1];
	p0 =	sne.s32 s2, $0x0  }
0x7c: {  	s3 =	rddreg [dreg:$0x2];
	[bflag:$0x3] =	sbarrier.arrive $0xFFFF;
	s2 =	simm.s32 @!p0 $0x1C09  }
0x7d: {  	[timem:s3], [sflag:s2] =	dma.local @!p0 [hbm:s0], s1  }
0x7e: {  	s0 =	simm.s32 @!p0 $0x9  }
0x7f: {  	_ =	swait.ge @!p0 [sflag:s0], s1  }
0x80: {  	s1 =	ssub.s32 @!p0 $0x0, s1;
	[sflag:s0] =	ssyncset.done @!p0 $0x0  }
0x81: {  	[sflag:s0] =	ssyncadd.s32 @!p0 s1  }
0x82: {  	[bflag:$0x3] =	sbarrier.arrive $0xFFFF  }
0x83: {  	_ =	shalt  }

</sc_bundles>
